<compile_context>
chip_gen: v7x
topology: tpu7x:2x2x1
jax: 0.10.2.dev20260603
libtpu: 0.0.44.dev20260713+nightly
codegen_flags: <defaults>
</compile_context>

<pallas_src>
import functools

import jax
import jax.numpy as jnp
from jax import lax
from jax.experimental import pallas as pl
from jax.experimental.pallas import tpu as pltpu
from jax.experimental.pallas import tpu_sc as plsc

N_NODES = 10000
D = 128
N_EDGES = 320000

NC = 2
NS = 16
NW = NC * NS
K = 128
CHUNKS = 79
E_PAD = NW * CHUNKS * K
ACC_ROWS = 10240
TRASH_ROW = N_NODES
ZROWS = ACC_ROWS // NS
OROWS = 624
OTAIL = N_NODES - NS * OROWS

_mesh = plsc.VectorSubcoreMesh(core_axis_name="c", subcore_axis_name="s")


@functools.partial(
    pl.kernel,
    mesh=_mesh,
    out_type=jax.ShapeDtypeStruct((NC, N_NODES, D), jnp.float32),
    scratch_types=[
        pltpu.VMEM((CHUNKS, K), jnp.int32),
        pltpu.VMEM((K, D), jnp.float32),
        pltpu.VMEM_SHARED((ACC_ROWS, D), jnp.float32),
    ],
)
def _deg_kernel(dst_hbm, zeros_hbm, ones_hbm, out_hbm, dst_v, ones_v, acc):
    c = lax.axis_index("c")
    s = lax.axis_index("s")
    wid = s * NC + c
    pltpu.sync_copy(zeros_hbm, acc.at[pl.ds(s * ZROWS, ZROWS)])
    pltpu.sync_copy(ones_hbm, ones_v)
    pltpu.sync_copy(dst_hbm.at[wid], dst_v)
    plsc.subcore_barrier()

    def body(j, carry):
        pltpu.sync_copy(ones_v, acc.at[dst_v.at[j]], add=True)
        return carry

    lax.fori_loop(0, CHUNKS, body, 0)
    plsc.subcore_barrier()
    pltpu.sync_copy(acc.at[pl.ds(s * OROWS, OROWS)],
                    out_hbm.at[c, pl.ds(s * OROWS, OROWS)])

    @pl.when(s == NS - 1)
    def _():
        pltpu.sync_copy(acc.at[pl.ds(NS * OROWS, OTAIL)],
                        out_hbm.at[c, pl.ds(NS * OROWS, OTAIL)])


@functools.partial(
    pl.kernel,
    mesh=_mesh,
    out_type=jax.ShapeDtypeStruct((NC, N_NODES, D), jnp.float32),
    scratch_types=[
        pltpu.VMEM((CHUNKS, K), jnp.int32),
        pltpu.VMEM((CHUNKS, K), jnp.int32),
        pltpu.VMEM((K, D), jnp.float32),
        pltpu.VMEM_SHARED((ACC_ROWS, D), jnp.float32),
        pltpu.SemaphoreType.DMA,
    ],
)
def _agg_kernel(hs_hbm, src_hbm, dst_hbm, zeros_hbm, out_hbm,
                src_v, dst_v, b0, acc, g0):
    c = lax.axis_index("c")
    s = lax.axis_index("s")
    wid = s * NC + c
    pltpu.sync_copy(zeros_hbm, acc.at[pl.ds(s * ZROWS, ZROWS)])
    pltpu.sync_copy(src_hbm.at[wid], src_v)
    pltpu.sync_copy(dst_hbm.at[wid], dst_v)
    plsc.subcore_barrier()

    def body(j, carry):
        pltpu.async_copy(hs_hbm.at[src_v.at[j]], b0, g0).wait()
        pltpu.sync_copy(b0, acc.at[dst_v.at[j]], add=True)
        return carry

    lax.fori_loop(0, CHUNKS, body, 0)
    plsc.subcore_barrier()
    pltpu.sync_copy(acc.at[pl.ds(s * OROWS, OROWS)],
                    out_hbm.at[c, pl.ds(s * OROWS, OROWS)])

    @pl.when(s == NS - 1)
    def _():
        pltpu.sync_copy(acc.at[pl.ds(NS * OROWS, OTAIL)],
                        out_hbm.at[c, pl.ds(NS * OROWS, OTAIL)])



_R = 1000


def _dinv_of(dg):
    return lax.rsqrt(dg + 1.0)


def _mm_first_body(x_ref, w_ref, dg_ref, o_ref):
    dinv = _dinv_of(dg_ref[...])
    o_ref[...] = jnp.dot(x_ref[...], w_ref[...],
                         preferred_element_type=jnp.float32) * dinv


def _mm_mid_body(p0_ref, p1_ref, hs_ref, dg_ref, b_ref, w_ref, o_ref):
    dinv = _dinv_of(dg_ref[...])
    t = dinv * (p0_ref[...] + p1_ref[...] + hs_ref[...]) + b_ref[...]
    t = jnp.maximum(t, 0.0)
    o_ref[...] = jnp.dot(t, w_ref[...],
                         preferred_element_type=jnp.float32) * dinv


def _final_body(p0_ref, p1_ref, hs_ref, dg_ref, b_ref, o_ref):
    dinv = _dinv_of(dg_ref[...])
    o_ref[...] = dinv * (p0_ref[...] + p1_ref[...] + hs_ref[...]) + b_ref[...]


_row_spec = pl.BlockSpec((_R, D), lambda i: (i, 0))
_dg_spec = pl.BlockSpec((_R, 1), lambda i: (i, 0))
_w_spec = pl.BlockSpec((D, D), lambda i: (0, 0))
_b_spec = pl.BlockSpec((1, D), lambda i: (0, 0))
_out_sds = jax.ShapeDtypeStruct((N_NODES, D), jnp.float32)
_grid = (N_NODES // _R,)

_mm_first = pl.pallas_call(
    _mm_first_body, grid=_grid,
    in_specs=[_row_spec, _w_spec, _dg_spec],
    out_specs=_row_spec, out_shape=_out_sds)

_mm_mid = pl.pallas_call(
    _mm_mid_body, grid=_grid,
    in_specs=[_row_spec, _row_spec, _row_spec, _dg_spec,
              _b_spec, _w_spec],
    out_specs=_row_spec, out_shape=_out_sds)

_final = pl.pallas_call(
    _final_body, grid=_grid,
    in_specs=[_row_spec, _row_spec, _row_spec, _dg_spec, _b_spec],
    out_specs=_row_spec, out_shape=_out_sds)


def kernel(x, edge_index, W1, b1, W2, b2, W3, b3):
    src = edge_index[0].astype(jnp.int32)
    dst = edge_index[1].astype(jnp.int32)
    pad = E_PAD - N_EDGES
    srcp = jnp.concatenate([src, jnp.zeros((pad,), jnp.int32)])
    dstp = jnp.concatenate([dst, jnp.full((pad,), TRASH_ROW, jnp.int32)])
    srcp = srcp.reshape(NW, CHUNKS, K)
    dstp = dstp.reshape(NW, CHUNKS, K)

    zerosD = jnp.zeros((ZROWS, D), jnp.float32)
    onesKD = jnp.ones((K, D), jnp.float32)

    degp = _deg_kernel(dstp, zerosD, onesKD)
    dg = (degp[0] + degp[1])[:, :1]
    b1r = b1.reshape(1, D)
    b2r = b2.reshape(1, D)
    b3r = b3.reshape(1, D)

    hs1 = _mm_first(x, W1, dg)
    a1 = _agg_kernel(hs1, srcp, dstp, zerosD)
    hs2 = _mm_mid(a1[0], a1[1], hs1, dg, b1r, W2)
    a2 = _agg_kernel(hs2, srcp, dstp, zerosD)
    hs3 = _mm_mid(a2[0], a2[1], hs2, dg, b2r, W3)
    a3 = _agg_kernel(hs3, srcp, dstp, zerosD)
    return _final(a3[0], a3[1], hs3, dg, b3r)

# --- scband reference (transcript-rebuilt; emitter-appended) ---
"""Pipeline reference for scband-gcn-31430570672165 (READ-ONLY COPY).

The authoritative reference and input builder live on the scoring server;
editing this copy changes nothing except your own understanding.
"""

import jax, jax.numpy as jnp
import numpy as np

N_NODES = 10000
N_EDGES = 320000
D_IN = 128
D_HID = 128
D_OUT = 128


def setup_inputs(seed: int = 0) -> dict:
    key = jax.random.key(seed)
    ks = jax.random.split(key, 10)
    x = jax.random.normal(ks[0], (N_NODES, D_IN), dtype=jnp.float32)
    edge_index = jax.random.randint(ks[1], (2, N_EDGES), 0, N_NODES, dtype=jnp.int64)
    # Glorot-style init for linear weights, zeros for bias (PyG GCNConv default)
    def glorot(k, shape):
        lim = float(np.sqrt(6.0 / (shape[0] + shape[1])))
        return jax.random.uniform(k, shape, minval=-lim, maxval=lim, dtype=jnp.float32)
    W1 = glorot(ks[2], (D_IN, D_HID))
    b1 = jnp.zeros((D_HID,), dtype=jnp.float32)
    W2 = glorot(ks[3], (D_HID, D_HID))
    b2 = jnp.zeros((D_HID,), dtype=jnp.float32)
    W3 = glorot(ks[4], (D_HID, D_OUT))
    b3 = jnp.zeros((D_OUT,), dtype=jnp.float32)
    return {"x": x, "edge_index": edge_index, "W1": W1, "b1": b1, "W2": W2, "b2": b2, "W3": W3, "b3": b3}


def _gcn_conv(x, src, dst, norm, W, b, num_nodes):
    # PyG GCNConv: linear transform first, then normalized scatter-add aggregation
    h = x @ W
    msgs = h[src] * norm[:, None]
    out = jnp.zeros((num_nodes, h.shape[1]), dtype=h.dtype).at[dst].add(msgs)
    return out + b


def reference(x, edge_index, W1, b1, W2, b2, W3, b3):
    num_nodes = x.shape[0]
    src = edge_index[0]
    dst = edge_index[1]
    # add self loops (GCNConv default add_self_loops=True)
    loop = jnp.arange(num_nodes, dtype=src.dtype)
    src = jnp.concatenate([src, loop])
    dst = jnp.concatenate([dst, loop])
    # symmetric normalization D^{-1/2} (A+I) D^{-1/2}
    deg = jnp.zeros((num_nodes,), dtype=x.dtype).at[dst].add(1.0)
    deg_inv_sqrt = jnp.where(deg > 0, deg ** -0.5, 0.0)
    norm = deg_inv_sqrt[src] * deg_inv_sqrt[dst]
    # layer 1
    h = _gcn_conv(x, src, dst, norm, W1, b1, num_nodes)
    h = jax.nn.relu(h)  # dropout is identity in eval mode
    # layer 2
    h = _gcn_conv(h, src, dst, norm, W2, b2, num_nodes)
    h = jax.nn.relu(h)
    # layer 3 (no activation)
    h = _gcn_conv(h, src, dst, norm, W3, b3, num_nodes)
    return h

if __name__ == "__main__":
    import jax
    _d = setup_inputs()
    print(jax.jit(kernel)(*tuple(_d.values())))

</pallas_src>

<mosaic_0001>
#map = affine_map<(d0, d1) -> (0, 0)>
#map1 = affine_map<(d0, d1) -> (0, 0, 0)>
module attributes {stable_mosaic.version = 14 : i64} {
  func.func @_agg_kernel(%arg0: i32, %arg1: i32, %arg2: memref<10000x128xf32, #tpu.memory_space<hbm>>, %arg3: memref<32x79x128xi32, #tpu.memory_space<hbm>>, %arg4: memref<32x79x128xi32, #tpu.memory_space<hbm>>, %arg5: memref<640x128xf32, #tpu.memory_space<hbm>>, %arg6: memref<2x10000x128xf32, #tpu.memory_space<hbm>>, %arg7: memref<79x128xi32, #tpu.memory_space<vmem>>, %arg8: memref<79x128xi32, #tpu.memory_space<vmem>>, %arg9: memref<128x128xf32, #tpu.memory_space<vmem>>, %arg10: memref<10240x128xf32, #tpu.memory_space<vmem_shared>>, %arg11: memref<!tpu.dma_semaphore, #tpu.memory_space<semaphore_mem>>) attributes {dimension_semantics = [#tpu.dimension_semantics<core_parallel>, #tpu.dimension_semantics<subcore_parallel>], iteration_bounds = array<i64: 2, 16>, scalar_prefetch = 0 : i64, scratch_operands = 5 : i64, tpu.core_type = #tpu.core_type<sc_vector_subcore>, window_params = [{transform_indices = #map}, {transform_indices = #map1}, {transform_indices = #map1}, {transform_indices = #map}, {transform_indices = #map1}]} {
    %mul3A = arith.constant 2 : i32
    %mul3A_0 = arith.muli %arg1, %mul3A : i32
    %add3A = arith.addi %mul3A_0, %arg0 : i32
    %mul3A_1 = arith.constant 640 : i32
    %mul3A_2 = arith.muli %arg1, %mul3A_1 : i32
    "tpu.region"() ({
      %run_scoped3A = tpu.sem_alloc : memref<!tpu.dma_semaphore, #tpu.memory_space<semaphore_mem>>
      %dma_start3A = arith.constant 0 : i32
      %dma_start3A_15 = tpu.memref_slice %arg10[%mul3A_2, %dma_start3A] : memref<10240x128xf32, #tpu.memory_space<vmem_shared>> -> memref<640x128xf32, #tpu.memory_space<vmem_shared>>
      tpu.enqueue_dma source(%arg5 : memref<640x128xf32, #tpu.memory_space<hbm>>) target(%dma_start3A_15 : memref<640x128xf32, #tpu.memory_space<vmem_shared>>) target_semaphore(%run_scoped3A : memref<!tpu.dma_semaphore, #tpu.memory_space<semaphore_mem>>)
      %dma_wait3A = arith.constant 0 : i32
      %dma_wait3A_16 = tpu.memref_slice %arg10[%mul3A_2, %dma_wait3A] : memref<10240x128xf32, #tpu.memory_space<vmem_shared>> -> memref<640x128xf32, #tpu.memory_space<vmem_shared>>
      tpu.wait_dma2 semaphore(%run_scoped3A : memref<!tpu.dma_semaphore, #tpu.memory_space<semaphore_mem>>) src(%arg5 : memref<640x128xf32, #tpu.memory_space<hbm>>) dst(%dma_wait3A_16 : memref<640x128xf32, #tpu.memory_space<vmem_shared>>)
      tpu.yield
    }) : () -> ()
    "tpu.region"() ({
      %run_scoped3A = tpu.sem_alloc : memref<!tpu.dma_semaphore, #tpu.memory_space<semaphore_mem>>
      %dma_start3A = arith.constant 0 : i32
      %dma_start3A_15 = arith.constant 0 : i32
      %dma_start3A_16 = tpu.memref_slice %arg3[%add3A, %dma_start3A, %dma_start3A_15] : memref<32x79x128xi32, #tpu.memory_space<hbm>> -> memref<1x79x128xi32, #tpu.memory_space<hbm>>
      %dma_start3A_17 = tpu.memref_squeeze %dma_start3A_16 : memref<1x79x128xi32, #tpu.memory_space<hbm>> -> memref<79x128xi32, #tpu.memory_space<hbm>>
      %dma_start3A_18 = arith.constant 0 : i32
      %dma_start3A_19 = arith.constant 0 : i32
      %dma_start3A_20 = tpu.memref_slice %arg3[%add3A, %dma_start3A_18, %dma_start3A_19] : memref<32x79x128xi32, #tpu.memory_space<hbm>> -> memref<1x79x128xi32, #tpu.memory_space<hbm>>
      %dma_start3A_21 = tpu.memref_squeeze %dma_start3A_20 : memref<1x79x128xi32, #tpu.memory_space<hbm>> -> memref<79x128xi32, #tpu.memory_space<hbm>>
      tpu.enqueue_dma source(%dma_start3A_21 : memref<79x128xi32, #tpu.memory_space<hbm>>) target(%arg7 : memref<79x128xi32, #tpu.memory_space<vmem>>) target_semaphore(%run_scoped3A : memref<!tpu.dma_semaphore, #tpu.memory_space<semaphore_mem>>)
      %dma_wait3A = arith.constant 0 : i32
      %dma_wait3A_22 = arith.constant 0 : i32
      %dma_wait3A_23 = tpu.memref_slice %arg3[%add3A, %dma_wait3A, %dma_wait3A_22] : memref<32x79x128xi32, #tpu.memory_space<hbm>> -> memref<1x79x128xi32, #tpu.memory_space<hbm>>
      %dma_wait3A_24 = tpu.memref_squeeze %dma_wait3A_23 : memref<1x79x128xi32, #tpu.memory_space<hbm>> -> memref<79x128xi32, #tpu.memory_space<hbm>>
      %dma_wait3A_25 = arith.constant 0 : i32
      %dma_wait3A_26 = arith.constant 0 : i32
      %dma_wait3A_27 = tpu.memref_slice %arg3[%add3A, %dma_wait3A_25, %dma_wait3A_26] : memref<32x79x128xi32, #tpu.memory_space<hbm>> -> memref<1x79x128xi32, #tpu.memory_space<hbm>>
      %dma_wait3A_28 = tpu.memref_squeeze %dma_wait3A_27 : memref<1x79x128xi32, #tpu.memory_space<hbm>> -> memref<79x128xi32, #tpu.memory_space<hbm>>
      tpu.wait_dma2 semaphore(%run_scoped3A : memref<!tpu.dma_semaphore, #tpu.memory_space<semaphore_mem>>) src(%dma_wait3A_28 : memref<79x128xi32, #tpu.memory_space<hbm>>) dst(%arg7 : memref<79x128xi32, #tpu.memory_space<vmem>>)
      tpu.yield
    }) : () -> ()
    "tpu.region"() ({
      %run_scoped3A = tpu.sem_alloc : memref<!tpu.dma_semaphore, #tpu.memory_space<semaphore_mem>>
      %dma_start3A = arith.constant 0 : i32
      %dma_start3A_15 = arith.constant 0 : i32
      %dma_start3A_16 = tpu.memref_slice %arg4[%add3A, %dma_start3A, %dma_start3A_15] : memref<32x79x128xi32, #tpu.memory_space<hbm>> -> memref<1x79x128xi32, #tpu.memory_space<hbm>>
      %dma_start3A_17 = tpu.memref_squeeze %dma_start3A_16 : memref<1x79x128xi32, #tpu.memory_space<hbm>> -> memref<79x128xi32, #tpu.memory_space<hbm>>
      %dma_start3A_18 = arith.constant 0 : i32
      %dma_start3A_19 = arith.constant 0 : i32
      %dma_start3A_20 = tpu.memref_slice %arg4[%add3A, %dma_start3A_18, %dma_start3A_19] : memref<32x79x128xi32, #tpu.memory_space<hbm>> -> memref<1x79x128xi32, #tpu.memory_space<hbm>>
      %dma_start3A_21 = tpu.memref_squeeze %dma_start3A_20 : memref<1x79x128xi32, #tpu.memory_space<hbm>> -> memref<79x128xi32, #tpu.memory_space<hbm>>
      tpu.enqueue_dma source(%dma_start3A_21 : memref<79x128xi32, #tpu.memory_space<hbm>>) target(%arg8 : memref<79x128xi32, #tpu.memory_space<vmem>>) target_semaphore(%run_scoped3A : memref<!tpu.dma_semaphore, #tpu.memory_space<semaphore_mem>>)
      %dma_wait3A = arith.constant 0 : i32
      %dma_wait3A_22 = arith.constant 0 : i32
      %dma_wait3A_23 = tpu.memref_slice %arg4[%add3A, %dma_wait3A, %dma_wait3A_22] : memref<32x79x128xi32, #tpu.memory_space<hbm>> -> memref<1x79x128xi32, #tpu.memory_space<hbm>>
      %dma_wait3A_24 = tpu.memref_squeeze %dma_wait3A_23 : memref<1x79x128xi32, #tpu.memory_space<hbm>> -> memref<79x128xi32, #tpu.memory_space<hbm>>
      %dma_wait3A_25 = arith.constant 0 : i32
      %dma_wait3A_26 = arith.constant 0 : i32
      %dma_wait3A_27 = tpu.memref_slice %arg4[%add3A, %dma_wait3A_25, %dma_wait3A_26] : memref<32x79x128xi32, #tpu.memory_space<hbm>> -> memref<1x79x128xi32, #tpu.memory_space<hbm>>
      %dma_wait3A_28 = tpu.memref_squeeze %dma_wait3A_27 : memref<1x79x128xi32, #tpu.memory_space<hbm>> -> memref<79x128xi32, #tpu.memory_space<hbm>>
      tpu.wait_dma2 semaphore(%run_scoped3A : memref<!tpu.dma_semaphore, #tpu.memory_space<semaphore_mem>>) src(%dma_wait3A_28 : memref<79x128xi32, #tpu.memory_space<hbm>>) dst(%arg8 : memref<79x128xi32, #tpu.memory_space<vmem>>)
      tpu.yield
    }) : () -> ()
    %barrier3A = arith.constant 0 : index
    tpu.barrier barrier_id(%barrier3A)
    %scan3A = arith.constant 0 : i32
    %scan3A_3 = arith.constant 0 : i32
    %scan3A_4 = arith.constant 79 : i32
    %scan3A_5 = arith.addi %scan3A_3, %scan3A_4 : i32
    %scan3A_6 = arith.constant 1 : i32
    scf.for %scan3A_15 = %scan3A_3 to %scan3A_5 step %scan3A_6  : i32 {
      %dma_start3A = arith.constant 0 : i32
      %dma_start3A_16 = tpu.memref_slice %arg7[%scan3A_15, %dma_start3A] : memref<79x128xi32, #tpu.memory_space<vmem>> -> memref<1x128xi32, #tpu.memory_space<vmem>>
      %dma_start3A_17 = tpu.memref_squeeze %dma_start3A_16 : memref<1x128xi32, #tpu.memory_space<vmem>> -> memref<128xi32, #tpu.memory_space<vmem>>
      %dma_start3A_18 = arith.constant 0 : i32
      %dma_start3A_19 = arith.constant 0 : i32
      %dma_start3A_20 = tpu.memref_slice %arg2[%dma_start3A_18, %dma_start3A_19] : memref<10000x128xf32, #tpu.memory_space<hbm>> -> memref<10000x128xf32, #tpu.memory_space<hbm>>
      tpu.enqueue_indirect_dma source(%dma_start3A_20 : memref<10000x128xf32, #tpu.memory_space<hbm>>) target(%arg9 : memref<128x128xf32, #tpu.memory_space<vmem>>) offsets(%dma_start3A_17 : memref<128xi32, #tpu.memory_space<vmem>>) semaphore(%arg11 : memref<!tpu.dma_semaphore, #tpu.memory_space<semaphore_mem>>)
      %dma_wait3A = arith.constant 0 : i32
      %dma_wait3A_21 = tpu.memref_slice %arg7[%scan3A_15, %dma_wait3A] : memref<79x128xi32, #tpu.memory_space<vmem>> -> memref<1x128xi32, #tpu.memory_space<vmem>>
      %dma_wait3A_22 = tpu.memref_squeeze %dma_wait3A_21 : memref<1x128xi32, #tpu.memory_space<vmem>> -> memref<128xi32, #tpu.memory_space<vmem>>
      %dma_wait3A_23 = arith.constant 0 : i32
      %dma_wait3A_24 = arith.constant 0 : i32
      %dma_wait3A_25 = tpu.memref_slice %arg2[%dma_wait3A_23, %dma_wait3A_24] : memref<10000x128xf32, #tpu.memory_space<hbm>> -> memref<10000x128xf32, #tpu.memory_space<hbm>>
      tpu.wait_indirect_dma semaphore(%arg11 : memref<!tpu.dma_semaphore, #tpu.memory_space<semaphore_mem>>) src(%dma_wait3A_25 : memref<10000x128xf32, #tpu.memory_space<hbm>>) dst(%arg9 : memref<128x128xf32, #tpu.memory_space<vmem>>)
      "tpu.region"() ({
        %run_scoped3A = tpu.sem_alloc : memref<!tpu.dma_semaphore, #tpu.memory_space<semaphore_mem>>
        %dma_start3A_26 = arith.constant 0 : i32
        %dma_start3A_27 = tpu.memref_slice %arg8[%scan3A_15, %dma_start3A_26] : memref<79x128xi32, #tpu.memory_space<vmem>> -> memref<1x128xi32, #tpu.memory_space<vmem>>
        %dma_start3A_28 = tpu.memref_squeeze %dma_start3A_27 : memref<1x128xi32, #tpu.memory_space<vmem>> -> memref<128xi32, #tpu.memory_space<vmem>>
        %dma_start3A_29 = arith.constant 0 : i32
        %dma_start3A_30 = arith.constant 0 : i32
        %dma_start3A_31 = tpu.memref_slice %arg10[%dma_start3A_29, %dma_start3A_30] : memref<10240x128xf32, #tpu.memory_space<vmem_shared>> -> memref<10240x128xf32, #tpu.memory_space<vmem_shared>>
        tpu.enqueue_indirect_dma source(%arg9 : memref<128x128xf32, #tpu.memory_space<vmem>>) target(%dma_start3A_31 : memref<10240x128xf32, #tpu.memory_space<vmem_shared>>) offsets(%dma_start3A_28 : memref<128xi32, #tpu.memory_space<vmem>>) semaphore(%run_scoped3A : memref<!tpu.dma_semaphore, #tpu.memory_space<semaphore_mem>>) {add = true}
        %dma_wait3A_32 = arith.constant 0 : i32
        %dma_wait3A_33 = tpu.memref_slice %arg8[%scan3A_15, %dma_wait3A_32] : memref<79x128xi32, #tpu.memory_space<vmem>> -> memref<1x128xi32, #tpu.memory_space<vmem>>
        %dma_wait3A_34 = tpu.memref_squeeze %dma_wait3A_33 : memref<1x128xi32, #tpu.memory_space<vmem>> -> memref<128xi32, #tpu.memory_space<vmem>>
        %dma_wait3A_35 = arith.constant 0 : i32
        %dma_wait3A_36 = arith.constant 0 : i32
        %dma_wait3A_37 = tpu.memref_slice %arg10[%dma_wait3A_35, %dma_wait3A_36] : memref<10240x128xf32, #tpu.memory_space<vmem_shared>> -> memref<10240x128xf32, #tpu.memory_space<vmem_shared>>
        tpu.wait_indirect_dma semaphore(%run_scoped3A : memref<!tpu.dma_semaphore, #tpu.memory_space<semaphore_mem>>) src(%arg9 : memref<128x128xf32, #tpu.memory_space<vmem>>) dst(%dma_wait3A_37 : memref<10240x128xf32, #tpu.memory_space<vmem_shared>>)
        tpu.yield
      }) : () -> ()
    }
    %scan3A_7 = arith.constant 79 : i32
    %barrier3A_8 = arith.constant 0 : index
    tpu.barrier barrier_id(%barrier3A_8)
    %mul3A_9 = arith.constant 624 : i32
    %mul3A_10 = arith.muli %arg1, %mul3A_9 : i32
    %mul3A_11 = arith.constant 624 : i32
    %mul3A_12 = arith.muli %arg1, %mul3A_11 : i32
    "tpu.region"() ({
      %run_scoped3A = tpu.sem_alloc : memref<!tpu.dma_semaphore, #tpu.memory_space<semaphore_mem>>
      %dma_start3A = arith.constant 0 : i32
      %dma_start3A_15 = tpu.memref_slice %arg6[%arg0, %mul3A_12, %dma_start3A] : memref<2x10000x128xf32, #tpu.memory_space<hbm>> -> memref<1x624x128xf32, #tpu.memory_space<hbm>>
      %dma_start3A_16 = tpu.memref_squeeze %dma_start3A_15 : memref<1x624x128xf32, #tpu.memory_space<hbm>> -> memref<624x128xf32, #tpu.memory_space<hbm>>
      %dma_start3A_17 = arith.constant 0 : i32
      %dma_start3A_18 = tpu.memref_slice %arg10[%mul3A_10, %dma_start3A_17] : memref<10240x128xf32, #tpu.memory_space<vmem_shared>> -> memref<624x128xf32, #tpu.memory_space<vmem_shared>>
      tpu.enqueue_dma source(%dma_start3A_18 : memref<624x128xf32, #tpu.memory_space<vmem_shared>>) target(%dma_start3A_16 : memref<624x128xf32, #tpu.memory_space<hbm>>) target_semaphore(%run_scoped3A : memref<!tpu.dma_semaphore, #tpu.memory_space<semaphore_mem>>)
      %dma_wait3A = arith.constant 0 : i32
      %dma_wait3A_19 = tpu.memref_slice %arg6[%arg0, %mul3A_12, %dma_wait3A] : memref<2x10000x128xf32, #tpu.memory_space<hbm>> -> memref<1x624x128xf32, #tpu.memory_space<hbm>>
      %dma_wait3A_20 = tpu.memref_squeeze %dma_wait3A_19 : memref<1x624x128xf32, #tpu.memory_space<hbm>> -> memref<624x128xf32, #tpu.memory_space<hbm>>
      %dma_wait3A_21 = arith.constant 0 : i32
      %dma_wait3A_22 = tpu.memref_slice %arg10[%mul3A_10, %dma_wait3A_21] : memref<10240x128xf32, #tpu.memory_space<vmem_shared>> -> memref<624x128xf32, #tpu.memory_space<vmem_shared>>
      tpu.wait_dma2 semaphore(%run_scoped3A : memref<!tpu.dma_semaphore, #tpu.memory_space<semaphore_mem>>) src(%dma_wait3A_22 : memref<624x128xf32, #tpu.memory_space<vmem_shared>>) dst(%dma_wait3A_20 : memref<624x128xf32, #tpu.memory_space<hbm>>)
      tpu.yield
    }) : () -> ()
    %eq3A = arith.constant 15 : i32
    %eq3A_13 = arith.cmpi eq, %arg1, %eq3A : i32
    %convert_element_type3A = arith.extui %eq3A_13 : i1 to i32
    %cond3A = arith.constant 0 : i32
    %cond3A_14 = arith.cmpi ne, %convert_element_type3A, %cond3A : i32
    scf.if %cond3A_14 {
      "tpu.region"() ({
        %run_scoped3A = tpu.sem_alloc : memref<!tpu.dma_semaphore, #tpu.memory_space<semaphore_mem>>
        %dma_start3A = arith.constant 9984 : i32
        %dma_start3A_15 = arith.constant 0 : i32
        %dma_start3A_16 = tpu.memref_slice %arg6[%arg0, %dma_start3A, %dma_start3A_15] : memref<2x10000x128xf32, #tpu.memory_space<hbm>> -> memref<1x16x128xf32, #tpu.memory_space<hbm>>
        %dma_start3A_17 = tpu.memref_squeeze %dma_start3A_16 : memref<1x16x128xf32, #tpu.memory_space<hbm>> -> memref<16x128xf32, #tpu.memory_space<hbm>>
        %dma_start3A_18 = arith.constant 9984 : i32
        %dma_start3A_19 = arith.constant 0 : i32
        %dma_start3A_20 = tpu.memref_slice %arg10[%dma_start3A_18, %dma_start3A_19] : memref<10240x128xf32, #tpu.memory_space<vmem_shared>> -> memref<16x128xf32, #tpu.memory_space<vmem_shared>>
        tpu.enqueue_dma source(%dma_start3A_20 : memref<16x128xf32, #tpu.memory_space<vmem_shared>>) target(%dma_start3A_17 : memref<16x128xf32, #tpu.memory_space<hbm>>) target_semaphore(%run_scoped3A : memref<!tpu.dma_semaphore, #tpu.memory_space<semaphore_mem>>)
        %dma_wait3A = arith.constant 9984 : i32
        %dma_wait3A_21 = arith.constant 0 : i32
        %dma_wait3A_22 = tpu.memref_slice %arg6[%arg0, %dma_wait3A, %dma_wait3A_21] : memref<2x10000x128xf32, #tpu.memory_space<hbm>> -> memref<1x16x128xf32, #tpu.memory_space<hbm>>
        %dma_wait3A_23 = tpu.memref_squeeze %dma_wait3A_22 : memref<1x16x128xf32, #tpu.memory_space<hbm>> -> memref<16x128xf32, #tpu.memory_space<hbm>>
        %dma_wait3A_24 = arith.constant 9984 : i32
        %dma_wait3A_25 = arith.constant 0 : i32
        %dma_wait3A_26 = tpu.memref_slice %arg10[%dma_wait3A_24, %dma_wait3A_25] : memref<10240x128xf32, #tpu.memory_space<vmem_shared>> -> memref<16x128xf32, #tpu.memory_space<vmem_shared>>
        tpu.wait_dma2 semaphore(%run_scoped3A : memref<!tpu.dma_semaphore, #tpu.memory_space<semaphore_mem>>) src(%dma_wait3A_26 : memref<16x128xf32, #tpu.memory_space<vmem_shared>>) dst(%dma_wait3A_23 : memref<16x128xf32, #tpu.memory_space<hbm>>)
        tpu.yield
      }) : () -> ()
    } else {
    }
    return
  }
}

#map = affine_map<(d0, d1) -> (0, 0, 0)>
#map1 = affine_map<(d0, d1) -> (0, 0)>
module attributes {stable_mosaic.version = 14 : i64} {
  func.func @_deg_kernel(%arg0: i32, %arg1: i32, %arg2: memref<32x79x128xi32, #tpu.memory_space<hbm>>, %arg3: memref<640x128xf32, #tpu.memory_space<hbm>>, %arg4: memref<128x128xf32, #tpu.memory_space<hbm>>, %arg5: memref<2x10000x128xf32, #tpu.memory_space<hbm>>, %arg6: memref<79x128xi32, #tpu.memory_space<vmem>>, %arg7: memref<128x128xf32, #tpu.memory_space<vmem>>, %arg8: memref<10240x128xf32, #tpu.memory_space<vmem_shared>>) attributes {dimension_semantics = [#tpu.dimension_semantics<core_parallel>, #tpu.dimension_semantics<subcore_parallel>], iteration_bounds = array<i64: 2, 16>, scalar_prefetch = 0 : i64, scratch_operands = 3 : i64, tpu.core_type = #tpu.core_type<sc_vector_subcore>, window_params = [{transform_indices = #map}, {transform_indices = #map1}, {transform_indices = #map1}, {transform_indices = #map}]} {
    %mul3A = arith.constant 2 : i32
    %mul3A_0 = arith.muli %arg1, %mul3A : i32
    %add3A = arith.addi %mul3A_0, %arg0 : i32
    %mul3A_1 = arith.constant 640 : i32
    %mul3A_2 = arith.muli %arg1, %mul3A_1 : i32
    "tpu.region"() ({
      %run_scoped3A = tpu.sem_alloc : memref<!tpu.dma_semaphore, #tpu.memory_space<semaphore_mem>>
      %dma_start3A = arith.constant 0 : i32
      %dma_start3A_15 = tpu.memref_slice %arg8[%mul3A_2, %dma_start3A] : memref<10240x128xf32, #tpu.memory_space<vmem_shared>> -> memref<640x128xf32, #tpu.memory_space<vmem_shared>>
      tpu.enqueue_dma source(%arg3 : memref<640x128xf32, #tpu.memory_space<hbm>>) target(%dma_start3A_15 : memref<640x128xf32, #tpu.memory_space<vmem_shared>>) target_semaphore(%run_scoped3A : memref<!tpu.dma_semaphore, #tpu.memory_space<semaphore_mem>>)
      %dma_wait3A = arith.constant 0 : i32
      %dma_wait3A_16 = tpu.memref_slice %arg8[%mul3A_2, %dma_wait3A] : memref<10240x128xf32, #tpu.memory_space<vmem_shared>> -> memref<640x128xf32, #tpu.memory_space<vmem_shared>>
      tpu.wait_dma2 semaphore(%run_scoped3A : memref<!tpu.dma_semaphore, #tpu.memory_space<semaphore_mem>>) src(%arg3 : memref<640x128xf32, #tpu.memory_space<hbm>>) dst(%dma_wait3A_16 : memref<640x128xf32, #tpu.memory_space<vmem_shared>>)
      tpu.yield
    }) : () -> ()
    "tpu.region"() ({
      %run_scoped3A = tpu.sem_alloc : memref<!tpu.dma_semaphore, #tpu.memory_space<semaphore_mem>>
      tpu.enqueue_dma source(%arg4 : memref<128x128xf32, #tpu.memory_space<hbm>>) target(%arg7 : memref<128x128xf32, #tpu.memory_space<vmem>>) target_semaphore(%run_scoped3A : memref<!tpu.dma_semaphore, #tpu.memory_space<semaphore_mem>>)
      tpu.wait_dma2 semaphore(%run_scoped3A : memref<!tpu.dma_semaphore, #tpu.memory_space<semaphore_mem>>) src(%arg4 : memref<128x128xf32, #tpu.memory_space<hbm>>) dst(%arg7 : memref<128x128xf32, #tpu.memory_space<vmem>>)
      tpu.yield
    }) : () -> ()
    "tpu.region"() ({
      %run_scoped3A = tpu.sem_alloc : memref<!tpu.dma_semaphore, #tpu.memory_space<semaphore_mem>>
      %dma_start3A = arith.constant 0 : i32
      %dma_start3A_15 = arith.constant 0 : i32
      %dma_start3A_16 = tpu.memref_slice %arg2[%add3A, %dma_start3A, %dma_start3A_15] : memref<32x79x128xi32, #tpu.memory_space<hbm>> -> memref<1x79x128xi32, #tpu.memory_space<hbm>>
      %dma_start3A_17 = tpu.memref_squeeze %dma_start3A_16 : memref<1x79x128xi32, #tpu.memory_space<hbm>> -> memref<79x128xi32, #tpu.memory_space<hbm>>
      %dma_start3A_18 = arith.constant 0 : i32
      %dma_start3A_19 = arith.constant 0 : i32
      %dma_start3A_20 = tpu.memref_slice %arg2[%add3A, %dma_start3A_18, %dma_start3A_19] : memref<32x79x128xi32, #tpu.memory_space<hbm>> -> memref<1x79x128xi32, #tpu.memory_space<hbm>>
      %dma_start3A_21 = tpu.memref_squeeze %dma_start3A_20 : memref<1x79x128xi32, #tpu.memory_space<hbm>> -> memref<79x128xi32, #tpu.memory_space<hbm>>
      tpu.enqueue_dma source(%dma_start3A_21 : memref<79x128xi32, #tpu.memory_space<hbm>>) target(%arg6 : memref<79x128xi32, #tpu.memory_space<vmem>>) target_semaphore(%run_scoped3A : memref<!tpu.dma_semaphore, #tpu.memory_space<semaphore_mem>>)
      %dma_wait3A = arith.constant 0 : i32
      %dma_wait3A_22 = arith.constant 0 : i32
      %dma_wait3A_23 = tpu.memref_slice %arg2[%add3A, %dma_wait3A, %dma_wait3A_22] : memref<32x79x128xi32, #tpu.memory_space<hbm>> -> memref<1x79x128xi32, #tpu.memory_space<hbm>>
      %dma_wait3A_24 = tpu.memref_squeeze %dma_wait3A_23 : memref<1x79x128xi32, #tpu.memory_space<hbm>> -> memref<79x128xi32, #tpu.memory_space<hbm>>
      %dma_wait3A_25 = arith.constant 0 : i32
      %dma_wait3A_26 = arith.constant 0 : i32
      %dma_wait3A_27 = tpu.memref_slice %arg2[%add3A, %dma_wait3A_25, %dma_wait3A_26] : memref<32x79x128xi32, #tpu.memory_space<hbm>> -> memref<1x79x128xi32, #tpu.memory_space<hbm>>
      %dma_wait3A_28 = tpu.memref_squeeze %dma_wait3A_27 : memref<1x79x128xi32, #tpu.memory_space<hbm>> -> memref<79x128xi32, #tpu.memory_space<hbm>>
      tpu.wait_dma2 semaphore(%run_scoped3A : memref<!tpu.dma_semaphore, #tpu.memory_space<semaphore_mem>>) src(%dma_wait3A_28 : memref<79x128xi32, #tpu.memory_space<hbm>>) dst(%arg6 : memref<79x128xi32, #tpu.memory_space<vmem>>)
      tpu.yield
    }) : () -> ()
    %barrier3A = arith.constant 0 : index
    tpu.barrier barrier_id(%barrier3A)
    %scan3A = arith.constant 0 : i32
    %scan3A_3 = arith.constant 0 : i32
    %scan3A_4 = arith.constant 79 : i32
    %scan3A_5 = arith.addi %scan3A_3, %scan3A_4 : i32
    %scan3A_6 = arith.constant 1 : i32
    scf.for %scan3A_15 = %scan3A_3 to %scan3A_5 step %scan3A_6  : i32 {
      "tpu.region"() ({
        %run_scoped3A = tpu.sem_alloc : memref<!tpu.dma_semaphore, #tpu.memory_space<semaphore_mem>>
        %dma_start3A = arith.constant 0 : i32
        %dma_start3A_16 = tpu.memref_slice %arg6[%scan3A_15, %dma_start3A] : memref<79x128xi32, #tpu.memory_space<vmem>> -> memref<1x128xi32, #tpu.memory_space<vmem>>
        %dma_start3A_17 = tpu.memref_squeeze %dma_start3A_16 : memref<1x128xi32, #tpu.memory_space<vmem>> -> memref<128xi32, #tpu.memory_space<vmem>>
        %dma_start3A_18 = arith.constant 0 : i32
        %dma_start3A_19 = arith.constant 0 : i32
        %dma_start3A_20 = tpu.memref_slice %arg8[%dma_start3A_18, %dma_start3A_19] : memref<10240x128xf32, #tpu.memory_space<vmem_shared>> -> memref<10240x128xf32, #tpu.memory_space<vmem_shared>>
        tpu.enqueue_indirect_dma source(%arg7 : memref<128x128xf32, #tpu.memory_space<vmem>>) target(%dma_start3A_20 : memref<10240x128xf32, #tpu.memory_space<vmem_shared>>) offsets(%dma_start3A_17 : memref<128xi32, #tpu.memory_space<vmem>>) semaphore(%run_scoped3A : memref<!tpu.dma_semaphore, #tpu.memory_space<semaphore_mem>>) {add = true}
        %dma_wait3A = arith.constant 0 : i32
        %dma_wait3A_21 = tpu.memref_slice %arg6[%scan3A_15, %dma_wait3A] : memref<79x128xi32, #tpu.memory_space<vmem>> -> memref<1x128xi32, #tpu.memory_space<vmem>>
        %dma_wait3A_22 = tpu.memref_squeeze %dma_wait3A_21 : memref<1x128xi32, #tpu.memory_space<vmem>> -> memref<128xi32, #tpu.memory_space<vmem>>
        %dma_wait3A_23 = arith.constant 0 : i32
        %dma_wait3A_24 = arith.constant 0 : i32
        %dma_wait3A_25 = tpu.memref_slice %arg8[%dma_wait3A_23, %dma_wait3A_24] : memref<10240x128xf32, #tpu.memory_space<vmem_shared>> -> memref<10240x128xf32, #tpu.memory_space<vmem_shared>>
        tpu.wait_indirect_dma semaphore(%run_scoped3A : memref<!tpu.dma_semaphore, #tpu.memory_space<semaphore_mem>>) src(%arg7 : memref<128x128xf32, #tpu.memory_space<vmem>>) dst(%dma_wait3A_25 : memref<10240x128xf32, #tpu.memory_space<vmem_shared>>)
        tpu.yield
      }) : () -> ()
    }
    %scan3A_7 = arith.constant 79 : i32
    %barrier3A_8 = arith.constant 0 : index
    tpu.barrier barrier_id(%barrier3A_8)
    %mul3A_9 = arith.constant 624 : i32
    %mul3A_10 = arith.muli %arg1, %mul3A_9 : i32
    %mul3A_11 = arith.constant 624 : i32
    %mul3A_12 = arith.muli %arg1, %mul3A_11 : i32
    "tpu.region"() ({
      %run_scoped3A = tpu.sem_alloc : memref<!tpu.dma_semaphore, #tpu.memory_space<semaphore_mem>>
      %dma_start3A = arith.constant 0 : i32
      %dma_start3A_15 = tpu.memref_slice %arg5[%arg0, %mul3A_12, %dma_start3A] : memref<2x10000x128xf32, #tpu.memory_space<hbm>> -> memref<1x624x128xf32, #tpu.memory_space<hbm>>
      %dma_start3A_16 = tpu.memref_squeeze %dma_start3A_15 : memref<1x624x128xf32, #tpu.memory_space<hbm>> -> memref<624x128xf32, #tpu.memory_space<hbm>>
      %dma_start3A_17 = arith.constant 0 : i32
      %dma_start3A_18 = tpu.memref_slice %arg8[%mul3A_10, %dma_start3A_17] : memref<10240x128xf32, #tpu.memory_space<vmem_shared>> -> memref<624x128xf32, #tpu.memory_space<vmem_shared>>
      tpu.enqueue_dma source(%dma_start3A_18 : memref<624x128xf32, #tpu.memory_space<vmem_shared>>) target(%dma_start3A_16 : memref<624x128xf32, #tpu.memory_space<hbm>>) target_semaphore(%run_scoped3A : memref<!tpu.dma_semaphore, #tpu.memory_space<semaphore_mem>>)
      %dma_wait3A = arith.constant 0 : i32
      %dma_wait3A_19 = tpu.memref_slice %arg5[%arg0, %mul3A_12, %dma_wait3A] : memref<2x10000x128xf32, #tpu.memory_space<hbm>> -> memref<1x624x128xf32, #tpu.memory_space<hbm>>
      %dma_wait3A_20 = tpu.memref_squeeze %dma_wait3A_19 : memref<1x624x128xf32, #tpu.memory_space<hbm>> -> memref<624x128xf32, #tpu.memory_space<hbm>>
      %dma_wait3A_21 = arith.constant 0 : i32
      %dma_wait3A_22 = tpu.memref_slice %arg8[%mul3A_10, %dma_wait3A_21] : memref<10240x128xf32, #tpu.memory_space<vmem_shared>> -> memref<624x128xf32, #tpu.memory_space<vmem_shared>>
      tpu.wait_dma2 semaphore(%run_scoped3A : memref<!tpu.dma_semaphore, #tpu.memory_space<semaphore_mem>>) src(%dma_wait3A_22 : memref<624x128xf32, #tpu.memory_space<vmem_shared>>) dst(%dma_wait3A_20 : memref<624x128xf32, #tpu.memory_space<hbm>>)
      tpu.yield
    }) : () -> ()
    %eq3A = arith.constant 15 : i32
    %eq3A_13 = arith.cmpi eq, %arg1, %eq3A : i32
    %convert_element_type3A = arith.extui %eq3A_13 : i1 to i32
    %cond3A = arith.constant 0 : i32
    %cond3A_14 = arith.cmpi ne, %convert_element_type3A, %cond3A : i32
    scf.if %cond3A_14 {
      "tpu.region"() ({
        %run_scoped3A = tpu.sem_alloc : memref<!tpu.dma_semaphore, #tpu.memory_space<semaphore_mem>>
        %dma_start3A = arith.constant 9984 : i32
        %dma_start3A_15 = arith.constant 0 : i32
        %dma_start3A_16 = tpu.memref_slice %arg5[%arg0, %dma_start3A, %dma_start3A_15] : memref<2x10000x128xf32, #tpu.memory_space<hbm>> -> memref<1x16x128xf32, #tpu.memory_space<hbm>>
        %dma_start3A_17 = tpu.memref_squeeze %dma_start3A_16 : memref<1x16x128xf32, #tpu.memory_space<hbm>> -> memref<16x128xf32, #tpu.memory_space<hbm>>
        %dma_start3A_18 = arith.constant 9984 : i32
        %dma_start3A_19 = arith.constant 0 : i32
        %dma_start3A_20 = tpu.memref_slice %arg8[%dma_start3A_18, %dma_start3A_19] : memref<10240x128xf32, #tpu.memory_space<vmem_shared>> -> memref<16x128xf32, #tpu.memory_space<vmem_shared>>
        tpu.enqueue_dma source(%dma_start3A_20 : memref<16x128xf32, #tpu.memory_space<vmem_shared>>) target(%dma_start3A_17 : memref<16x128xf32, #tpu.memory_space<hbm>>) target_semaphore(%run_scoped3A : memref<!tpu.dma_semaphore, #tpu.memory_space<semaphore_mem>>)
        %dma_wait3A = arith.constant 9984 : i32
        %dma_wait3A_21 = arith.constant 0 : i32
        %dma_wait3A_22 = tpu.memref_slice %arg5[%arg0, %dma_wait3A, %dma_wait3A_21] : memref<2x10000x128xf32, #tpu.memory_space<hbm>> -> memref<1x16x128xf32, #tpu.memory_space<hbm>>
        %dma_wait3A_23 = tpu.memref_squeeze %dma_wait3A_22 : memref<1x16x128xf32, #tpu.memory_space<hbm>> -> memref<16x128xf32, #tpu.memory_space<hbm>>
        %dma_wait3A_24 = arith.constant 9984 : i32
        %dma_wait3A_25 = arith.constant 0 : i32
        %dma_wait3A_26 = tpu.memref_slice %arg8[%dma_wait3A_24, %dma_wait3A_25] : memref<10240x128xf32, #tpu.memory_space<vmem_shared>> -> memref<16x128xf32, #tpu.memory_space<vmem_shared>>
        tpu.wait_dma2 semaphore(%run_scoped3A : memref<!tpu.dma_semaphore, #tpu.memory_space<semaphore_mem>>) src(%dma_wait3A_26 : memref<16x128xf32, #tpu.memory_space<vmem_shared>>) dst(%dma_wait3A_23 : memref<16x128xf32, #tpu.memory_space<hbm>>)
        tpu.yield
      }) : () -> ()
    } else {
    }
    return
  }
}

#map = affine_map<(d0, d1) -> (0, 0)>
#map1 = affine_map<(d0, d1) -> (0, 0, 0)>
module attributes {stable_mosaic.version = 14 : i64} {
  func.func @_agg_kernel(%arg0: i32, %arg1: i32, %arg2: memref<10000x128xf32, #tpu.memory_space<hbm>>, %arg3: memref<32x79x128xi32, #tpu.memory_space<hbm>>, %arg4: memref<32x79x128xi32, #tpu.memory_space<hbm>>, %arg5: memref<640x128xf32, #tpu.memory_space<hbm>>, %arg6: memref<2x10000x128xf32, #tpu.memory_space<hbm>>, %arg7: memref<79x128xi32, #tpu.memory_space<vmem>>, %arg8: memref<79x128xi32, #tpu.memory_space<vmem>>, %arg9: memref<128x128xf32, #tpu.memory_space<vmem>>, %arg10: memref<10240x128xf32, #tpu.memory_space<vmem_shared>>, %arg11: memref<!tpu.dma_semaphore, #tpu.memory_space<semaphore_mem>>) attributes {dimension_semantics = [#tpu.dimension_semantics<core_parallel>, #tpu.dimension_semantics<subcore_parallel>], iteration_bounds = array<i64: 2, 16>, scalar_prefetch = 0 : i64, scratch_operands = 5 : i64, tpu.core_type = #tpu.core_type<sc_vector_subcore>, window_params = [{transform_indices = #map}, {transform_indices = #map1}, {transform_indices = #map1}, {transform_indices = #map}, {transform_indices = #map1}]} {
    %mul3A = arith.constant 2 : i32
    %mul3A_0 = arith.muli %arg1, %mul3A : i32
    %add3A = arith.addi %mul3A_0, %arg0 : i32
    %mul3A_1 = arith.constant 640 : i32
    %mul3A_2 = arith.muli %arg1, %mul3A_1 : i32
    "tpu.region"() ({
      %run_scoped3A = tpu.sem_alloc : memref<!tpu.dma_semaphore, #tpu.memory_space<semaphore_mem>>
      %dma_start3A = arith.constant 0 : i32
      %dma_start3A_15 = tpu.memref_slice %arg10[%mul3A_2, %dma_start3A] : memref<10240x128xf32, #tpu.memory_space<vmem_shared>> -> memref<640x128xf32, #tpu.memory_space<vmem_shared>>
      tpu.enqueue_dma source(%arg5 : memref<640x128xf32, #tpu.memory_space<hbm>>) target(%dma_start3A_15 : memref<640x128xf32, #tpu.memory_space<vmem_shared>>) target_semaphore(%run_scoped3A : memref<!tpu.dma_semaphore, #tpu.memory_space<semaphore_mem>>)
      %dma_wait3A = arith.constant 0 : i32
      %dma_wait3A_16 = tpu.memref_slice %arg10[%mul3A_2, %dma_wait3A] : memref<10240x128xf32, #tpu.memory_space<vmem_shared>> -> memref<640x128xf32, #tpu.memory_space<vmem_shared>>
      tpu.wait_dma2 semaphore(%run_scoped3A : memref<!tpu.dma_semaphore, #tpu.memory_space<semaphore_mem>>) src(%arg5 : memref<640x128xf32, #tpu.memory_space<hbm>>) dst(%dma_wait3A_16 : memref<640x128xf32, #tpu.memory_space<vmem_shared>>)
      tpu.yield
    }) : () -> ()
    "tpu.region"() ({
      %run_scoped3A = tpu.sem_alloc : memref<!tpu.dma_semaphore, #tpu.memory_space<semaphore_mem>>
      %dma_start3A = arith.constant 0 : i32
      %dma_start3A_15 = arith.constant 0 : i32
      %dma_start3A_16 = tpu.memref_slice %arg3[%add3A, %dma_start3A, %dma_start3A_15] : memref<32x79x128xi32, #tpu.memory_space<hbm>> -> memref<1x79x128xi32, #tpu.memory_space<hbm>>
      %dma_start3A_17 = tpu.memref_squeeze %dma_start3A_16 : memref<1x79x128xi32, #tpu.memory_space<hbm>> -> memref<79x128xi32, #tpu.memory_space<hbm>>
      %dma_start3A_18 = arith.constant 0 : i32
      %dma_start3A_19 = arith.constant 0 : i32
      %dma_start3A_20 = tpu.memref_slice %arg3[%add3A, %dma_start3A_18, %dma_start3A_19] : memref<32x79x128xi32, #tpu.memory_space<hbm>> -> memref<1x79x128xi32, #tpu.memory_space<hbm>>
      %dma_start3A_21 = tpu.memref_squeeze %dma_start3A_20 : memref<1x79x128xi32, #tpu.memory_space<hbm>> -> memref<79x128xi32, #tpu.memory_space<hbm>>
      tpu.enqueue_dma source(%dma_start3A_21 : memref<79x128xi32, #tpu.memory_space<hbm>>) target(%arg7 : memref<79x128xi32, #tpu.memory_space<vmem>>) target_semaphore(%run_scoped3A : memref<!tpu.dma_semaphore, #tpu.memory_space<semaphore_mem>>)
      %dma_wait3A = arith.constant 0 : i32
      %dma_wait3A_22 = arith.constant 0 : i32
      %dma_wait3A_23 = tpu.memref_slice %arg3[%add3A, %dma_wait3A, %dma_wait3A_22] : memref<32x79x128xi32, #tpu.memory_space<hbm>> -> memref<1x79x128xi32, #tpu.memory_space<hbm>>
      %dma_wait3A_24 = tpu.memref_squeeze %dma_wait3A_23 : memref<1x79x128xi32, #tpu.memory_space<hbm>> -> memref<79x128xi32, #tpu.memory_space<hbm>>
      %dma_wait3A_25 = arith.constant 0 : i32
      %dma_wait3A_26 = arith.constant 0 : i32
      %dma_wait3A_27 = tpu.memref_slice %arg3[%add3A, %dma_wait3A_25, %dma_wait3A_26] : memref<32x79x128xi32, #tpu.memory_space<hbm>> -> memref<1x79x128xi32, #tpu.memory_space<hbm>>
      %dma_wait3A_28 = tpu.memref_squeeze %dma_wait3A_27 : memref<1x79x128xi32, #tpu.memory_space<hbm>> -> memref<79x128xi32, #tpu.memory_space<hbm>>
      tpu.wait_dma2 semaphore(%run_scoped3A : memref<!tpu.dma_semaphore, #tpu.memory_space<semaphore_mem>>) src(%dma_wait3A_28 : memref<79x128xi32, #tpu.memory_space<hbm>>) dst(%arg7 : memref<79x128xi32, #tpu.memory_space<vmem>>)
      tpu.yield
    }) : () -> ()
    "tpu.region"() ({
      %run_scoped3A = tpu.sem_alloc : memref<!tpu.dma_semaphore, #tpu.memory_space<semaphore_mem>>
      %dma_start3A = arith.constant 0 : i32
      %dma_start3A_15 = arith.constant 0 : i32
      %dma_start3A_16 = tpu.memref_slice %arg4[%add3A, %dma_start3A, %dma_start3A_15] : memref<32x79x128xi32, #tpu.memory_space<hbm>> -> memref<1x79x128xi32, #tpu.memory_space<hbm>>
      %dma_start3A_17 = tpu.memref_squeeze %dma_start3A_16 : memref<1x79x128xi32, #tpu.memory_space<hbm>> -> memref<79x128xi32, #tpu.memory_space<hbm>>
      %dma_start3A_18 = arith.constant 0 : i32
      %dma_start3A_19 = arith.constant 0 : i32
      %dma_start3A_20 = tpu.memref_slice %arg4[%add3A, %dma_start3A_18, %dma_start3A_19] : memref<32x79x128xi32, #tpu.memory_space<hbm>> -> memref<1x79x128xi32, #tpu.memory_space<hbm>>
      %dma_start3A_21 = tpu.memref_squeeze %dma_start3A_20 : memref<1x79x128xi32, #tpu.memory_space<hbm>> -> memref<79x128xi32, #tpu.memory_space<hbm>>
      tpu.enqueue_dma source(%dma_start3A_21 : memref<79x128xi32, #tpu.memory_space<hbm>>) target(%arg8 : memref<79x128xi32, #tpu.memory_space<vmem>>) target_semaphore(%run_scoped3A : memref<!tpu.dma_semaphore, #tpu.memory_space<semaphore_mem>>)
      %dma_wait3A = arith.constant 0 : i32
      %dma_wait3A_22 = arith.constant 0 : i32
      %dma_wait3A_23 = tpu.memref_slice %arg4[%add3A, %dma_wait3A, %dma_wait3A_22] : memref<32x79x128xi32, #tpu.memory_space<hbm>> -> memref<1x79x128xi32, #tpu.memory_space<hbm>>
      %dma_wait3A_24 = tpu.memref_squeeze %dma_wait3A_23 : memref<1x79x128xi32, #tpu.memory_space<hbm>> -> memref<79x128xi32, #tpu.memory_space<hbm>>
      %dma_wait3A_25 = arith.constant 0 : i32
      %dma_wait3A_26 = arith.constant 0 : i32
      %dma_wait3A_27 = tpu.memref_slice %arg4[%add3A, %dma_wait3A_25, %dma_wait3A_26] : memref<32x79x128xi32, #tpu.memory_space<hbm>> -> memref<1x79x128xi32, #tpu.memory_space<hbm>>
      %dma_wait3A_28 = tpu.memref_squeeze %dma_wait3A_27 : memref<1x79x128xi32, #tpu.memory_space<hbm>> -> memref<79x128xi32, #tpu.memory_space<hbm>>
      tpu.wait_dma2 semaphore(%run_scoped3A : memref<!tpu.dma_semaphore, #tpu.memory_space<semaphore_mem>>) src(%dma_wait3A_28 : memref<79x128xi32, #tpu.memory_space<hbm>>) dst(%arg8 : memref<79x128xi32, #tpu.memory_space<vmem>>)
      tpu.yield
    }) : () -> ()
    %barrier3A = arith.constant 0 : index
    tpu.barrier barrier_id(%barrier3A)
    %scan3A = arith.constant 0 : i32
    %scan3A_3 = arith.constant 0 : i32
    %scan3A_4 = arith.constant 79 : i32
    %scan3A_5 = arith.addi %scan3A_3, %scan3A_4 : i32
    %scan3A_6 = arith.constant 1 : i32
    scf.for %scan3A_15 = %scan3A_3 to %scan3A_5 step %scan3A_6  : i32 {
      %dma_start3A = arith.constant 0 : i32
      %dma_start3A_16 = tpu.memref_slice %arg7[%scan3A_15, %dma_start3A] : memref<79x128xi32, #tpu.memory_space<vmem>> -> memref<1x128xi32, #tpu.memory_space<vmem>>
      %dma_start3A_17 = tpu.memref_squeeze %dma_start3A_16 : memref<1x128xi32, #tpu.memory_space<vmem>> -> memref<128xi32, #tpu.memory_space<vmem>>
      %dma_start3A_18 = arith.constant 0 : i32
      %dma_start3A_19 = arith.constant 0 : i32
      %dma_start3A_20 = tpu.memref_slice %arg2[%dma_start3A_18, %dma_start3A_19] : memref<10000x128xf32, #tpu.memory_space<hbm>> -> memref<10000x128xf32, #tpu.memory_space<hbm>>
      tpu.enqueue_indirect_dma source(%dma_start3A_20 : memref<10000x128xf32, #tpu.memory_space<hbm>>) target(%arg9 : memref<128x128xf32, #tpu.memory_space<vmem>>) offsets(%dma_start3A_17 : memref<128xi32, #tpu.memory_space<vmem>>) semaphore(%arg11 : memref<!tpu.dma_semaphore, #tpu.memory_space<semaphore_mem>>)
      %dma_wait3A = arith.constant 0 : i32
      %dma_wait3A_21 = tpu.memref_slice %arg7[%scan3A_15, %dma_wait3A] : memref<79x128xi32, #tpu.memory_space<vmem>> -> memref<1x128xi32, #tpu.memory_space<vmem>>
      %dma_wait3A_22 = tpu.memref_squeeze %dma_wait3A_21 : memref<1x128xi32, #tpu.memory_space<vmem>> -> memref<128xi32, #tpu.memory_space<vmem>>
      %dma_wait3A_23 = arith.constant 0 : i32
      %dma_wait3A_24 = arith.constant 0 : i32
      %dma_wait3A_25 = tpu.memref_slice %arg2[%dma_wait3A_23, %dma_wait3A_24] : memref<10000x128xf32, #tpu.memory_space<hbm>> -> memref<10000x128xf32, #tpu.memory_space<hbm>>
      tpu.wait_indirect_dma semaphore(%arg11 : memref<!tpu.dma_semaphore, #tpu.memory_space<semaphore_mem>>) src(%dma_wait3A_25 : memref<10000x128xf32, #tpu.memory_space<hbm>>) dst(%arg9 : memref<128x128xf32, #tpu.memory_space<vmem>>)
      "tpu.region"() ({
        %run_scoped3A = tpu.sem_alloc : memref<!tpu.dma_semaphore, #tpu.memory_space<semaphore_mem>>
        %dma_start3A_26 = arith.constant 0 : i32
        %dma_start3A_27 = tpu.memref_slice %arg8[%scan3A_15, %dma_start3A_26] : memref<79x128xi32, #tpu.memory_space<vmem>> -> memref<1x128xi32, #tpu.memory_space<vmem>>
        %dma_start3A_28 = tpu.memref_squeeze %dma_start3A_27 : memref<1x128xi32, #tpu.memory_space<vmem>> -> memref<128xi32, #tpu.memory_space<vmem>>
        %dma_start3A_29 = arith.constant 0 : i32
        %dma_start3A_30 = arith.constant 0 : i32
        %dma_start3A_31 = tpu.memref_slice %arg10[%dma_start3A_29, %dma_start3A_30] : memref<10240x128xf32, #tpu.memory_space<vmem_shared>> -> memref<10240x128xf32, #tpu.memory_space<vmem_shared>>
        tpu.enqueue_indirect_dma source(%arg9 : memref<128x128xf32, #tpu.memory_space<vmem>>) target(%dma_start3A_31 : memref<10240x128xf32, #tpu.memory_space<vmem_shared>>) offsets(%dma_start3A_28 : memref<128xi32, #tpu.memory_space<vmem>>) semaphore(%run_scoped3A : memref<!tpu.dma_semaphore, #tpu.memory_space<semaphore_mem>>) {add = true}
        %dma_wait3A_32 = arith.constant 0 : i32
        %dma_wait3A_33 = tpu.memref_slice %arg8[%scan3A_15, %dma_wait3A_32] : memref<79x128xi32, #tpu.memory_space<vmem>> -> memref<1x128xi32, #tpu.memory_space<vmem>>
        %dma_wait3A_34 = tpu.memref_squeeze %dma_wait3A_33 : memref<1x128xi32, #tpu.memory_space<vmem>> -> memref<128xi32, #tpu.memory_space<vmem>>
        %dma_wait3A_35 = arith.constant 0 : i32
        %dma_wait3A_36 = arith.constant 0 : i32
        %dma_wait3A_37 = tpu.memref_slice %arg10[%dma_wait3A_35, %dma_wait3A_36] : memref<10240x128xf32, #tpu.memory_space<vmem_shared>> -> memref<10240x128xf32, #tpu.memory_space<vmem_shared>>
        tpu.wait_indirect_dma semaphore(%run_scoped3A : memref<!tpu.dma_semaphore, #tpu.memory_space<semaphore_mem>>) src(%arg9 : memref<128x128xf32, #tpu.memory_space<vmem>>) dst(%dma_wait3A_37 : memref<10240x128xf32, #tpu.memory_space<vmem_shared>>)
        tpu.yield
      }) : () -> ()
    }
    %scan3A_7 = arith.constant 79 : i32
    %barrier3A_8 = arith.constant 0 : index
    tpu.barrier barrier_id(%barrier3A_8)
    %mul3A_9 = arith.constant 624 : i32
    %mul3A_10 = arith.muli %arg1, %mul3A_9 : i32
    %mul3A_11 = arith.constant 624 : i32
    %mul3A_12 = arith.muli %arg1, %mul3A_11 : i32
    "tpu.region"() ({
      %run_scoped3A = tpu.sem_alloc : memref<!tpu.dma_semaphore, #tpu.memory_space<semaphore_mem>>
      %dma_start3A = arith.constant 0 : i32
      %dma_start3A_15 = tpu.memref_slice %arg6[%arg0, %mul3A_12, %dma_start3A] : memref<2x10000x128xf32, #tpu.memory_space<hbm>> -> memref<1x624x128xf32, #tpu.memory_space<hbm>>
      %dma_start3A_16 = tpu.memref_squeeze %dma_start3A_15 : memref<1x624x128xf32, #tpu.memory_space<hbm>> -> memref<624x128xf32, #tpu.memory_space<hbm>>
      %dma_start3A_17 = arith.constant 0 : i32
      %dma_start3A_18 = tpu.memref_slice %arg10[%mul3A_10, %dma_start3A_17] : memref<10240x128xf32, #tpu.memory_space<vmem_shared>> -> memref<624x128xf32, #tpu.memory_space<vmem_shared>>
      tpu.enqueue_dma source(%dma_start3A_18 : memref<624x128xf32, #tpu.memory_space<vmem_shared>>) target(%dma_start3A_16 : memref<624x128xf32, #tpu.memory_space<hbm>>) target_semaphore(%run_scoped3A : memref<!tpu.dma_semaphore, #tpu.memory_space<semaphore_mem>>)
      %dma_wait3A = arith.constant 0 : i32
      %dma_wait3A_19 = tpu.memref_slice %arg6[%arg0, %mul3A_12, %dma_wait3A] : memref<2x10000x128xf32, #tpu.memory_space<hbm>> -> memref<1x624x128xf32, #tpu.memory_space<hbm>>
      %dma_wait3A_20 = tpu.memref_squeeze %dma_wait3A_19 : memref<1x624x128xf32, #tpu.memory_space<hbm>> -> memref<624x128xf32, #tpu.memory_space<hbm>>
      %dma_wait3A_21 = arith.constant 0 : i32
      %dma_wait3A_22 = tpu.memref_slice %arg10[%mul3A_10, %dma_wait3A_21] : memref<10240x128xf32, #tpu.memory_space<vmem_shared>> -> memref<624x128xf32, #tpu.memory_space<vmem_shared>>
      tpu.wait_dma2 semaphore(%run_scoped3A : memref<!tpu.dma_semaphore, #tpu.memory_space<semaphore_mem>>) src(%dma_wait3A_22 : memref<624x128xf32, #tpu.memory_space<vmem_shared>>) dst(%dma_wait3A_20 : memref<624x128xf32, #tpu.memory_space<hbm>>)
      tpu.yield
    }) : () -> ()
    %eq3A = arith.constant 15 : i32
    %eq3A_13 = arith.cmpi eq, %arg1, %eq3A : i32
    %convert_element_type3A = arith.extui %eq3A_13 : i1 to i32
    %cond3A = arith.constant 0 : i32
    %cond3A_14 = arith.cmpi ne, %convert_element_type3A, %cond3A : i32
    scf.if %cond3A_14 {
      "tpu.region"() ({
        %run_scoped3A = tpu.sem_alloc : memref<!tpu.dma_semaphore, #tpu.memory_space<semaphore_mem>>
        %dma_start3A = arith.constant 9984 : i32
        %dma_start3A_15 = arith.constant 0 : i32
        %dma_start3A_16 = tpu.memref_slice %arg6[%arg0, %dma_start3A, %dma_start3A_15] : memref<2x10000x128xf32, #tpu.memory_space<hbm>> -> memref<1x16x128xf32, #tpu.memory_space<hbm>>
        %dma_start3A_17 = tpu.memref_squeeze %dma_start3A_16 : memref<1x16x128xf32, #tpu.memory_space<hbm>> -> memref<16x128xf32, #tpu.memory_space<hbm>>
        %dma_start3A_18 = arith.constant 9984 : i32
        %dma_start3A_19 = arith.constant 0 : i32
        %dma_start3A_20 = tpu.memref_slice %arg10[%dma_start3A_18, %dma_start3A_19] : memref<10240x128xf32, #tpu.memory_space<vmem_shared>> -> memref<16x128xf32, #tpu.memory_space<vmem_shared>>
        tpu.enqueue_dma source(%dma_start3A_20 : memref<16x128xf32, #tpu.memory_space<vmem_shared>>) target(%dma_start3A_17 : memref<16x128xf32, #tpu.memory_space<hbm>>) target_semaphore(%run_scoped3A : memref<!tpu.dma_semaphore, #tpu.memory_space<semaphore_mem>>)
        %dma_wait3A = arith.constant 9984 : i32
        %dma_wait3A_21 = arith.constant 0 : i32
        %dma_wait3A_22 = tpu.memref_slice %arg6[%arg0, %dma_wait3A, %dma_wait3A_21] : memref<2x10000x128xf32, #tpu.memory_space<hbm>> -> memref<1x16x128xf32, #tpu.memory_space<hbm>>
        %dma_wait3A_23 = tpu.memref_squeeze %dma_wait3A_22 : memref<1x16x128xf32, #tpu.memory_space<hbm>> -> memref<16x128xf32, #tpu.memory_space<hbm>>
        %dma_wait3A_24 = arith.constant 9984 : i32
        %dma_wait3A_25 = arith.constant 0 : i32
        %dma_wait3A_26 = tpu.memref_slice %arg10[%dma_wait3A_24, %dma_wait3A_25] : memref<10240x128xf32, #tpu.memory_space<vmem_shared>> -> memref<16x128xf32, #tpu.memory_space<vmem_shared>>
        tpu.wait_dma2 semaphore(%run_scoped3A : memref<!tpu.dma_semaphore, #tpu.memory_space<semaphore_mem>>) src(%dma_wait3A_26 : memref<16x128xf32, #tpu.memory_space<vmem_shared>>) dst(%dma_wait3A_23 : memref<16x128xf32, #tpu.memory_space<hbm>>)
        tpu.yield
      }) : () -> ()
    } else {
    }
    return
  }
}

#map = affine_map<(d0, d1) -> (0, 0)>
#map1 = affine_map<(d0, d1) -> (0, 0, 0)>
module attributes {stable_mosaic.version = 14 : i64} {
  func.func @_agg_kernel(%arg0: i32, %arg1: i32, %arg2: memref<10000x128xf32, #tpu.memory_space<hbm>>, %arg3: memref<32x79x128xi32, #tpu.memory_space<hbm>>, %arg4: memref<32x79x128xi32, #tpu.memory_space<hbm>>, %arg5: memref<640x128xf32, #tpu.memory_space<hbm>>, %arg6: memref<2x10000x128xf32, #tpu.memory_space<hbm>>, %arg7: memref<79x128xi32, #tpu.memory_space<vmem>>, %arg8: memref<79x128xi32, #tpu.memory_space<vmem>>, %arg9: memref<128x128xf32, #tpu.memory_space<vmem>>, %arg10: memref<10240x128xf32, #tpu.memory_space<vmem_shared>>, %arg11: memref<!tpu.dma_semaphore, #tpu.memory_space<semaphore_mem>>) attributes {dimension_semantics = [#tpu.dimension_semantics<core_parallel>, #tpu.dimension_semantics<subcore_parallel>], iteration_bounds = array<i64: 2, 16>, scalar_prefetch = 0 : i64, scratch_operands = 5 : i64, tpu.core_type = #tpu.core_type<sc_vector_subcore>, window_params = [{transform_indices = #map}, {transform_indices = #map1}, {transform_indices = #map1}, {transform_indices = #map}, {transform_indices = #map1}]} {
    %mul3A = arith.constant 2 : i32
    %mul3A_0 = arith.muli %arg1, %mul3A : i32
    %add3A = arith.addi %mul3A_0, %arg0 : i32
    %mul3A_1 = arith.constant 640 : i32
    %mul3A_2 = arith.muli %arg1, %mul3A_1 : i32
    "tpu.region"() ({
      %run_scoped3A = tpu.sem_alloc : memref<!tpu.dma_semaphore, #tpu.memory_space<semaphore_mem>>
      %dma_start3A = arith.constant 0 : i32
      %dma_start3A_15 = tpu.memref_slice %arg10[%mul3A_2, %dma_start3A] : memref<10240x128xf32, #tpu.memory_space<vmem_shared>> -> memref<640x128xf32, #tpu.memory_space<vmem_shared>>
      tpu.enqueue_dma source(%arg5 : memref<640x128xf32, #tpu.memory_space<hbm>>) target(%dma_start3A_15 : memref<640x128xf32, #tpu.memory_space<vmem_shared>>) target_semaphore(%run_scoped3A : memref<!tpu.dma_semaphore, #tpu.memory_space<semaphore_mem>>)
      %dma_wait3A = arith.constant 0 : i32
      %dma_wait3A_16 = tpu.memref_slice %arg10[%mul3A_2, %dma_wait3A] : memref<10240x128xf32, #tpu.memory_space<vmem_shared>> -> memref<640x128xf32, #tpu.memory_space<vmem_shared>>
      tpu.wait_dma2 semaphore(%run_scoped3A : memref<!tpu.dma_semaphore, #tpu.memory_space<semaphore_mem>>) src(%arg5 : memref<640x128xf32, #tpu.memory_space<hbm>>) dst(%dma_wait3A_16 : memref<640x128xf32, #tpu.memory_space<vmem_shared>>)
      tpu.yield
    }) : () -> ()
    "tpu.region"() ({
      %run_scoped3A = tpu.sem_alloc : memref<!tpu.dma_semaphore, #tpu.memory_space<semaphore_mem>>
      %dma_start3A = arith.constant 0 : i32
      %dma_start3A_15 = arith.constant 0 : i32
      %dma_start3A_16 = tpu.memref_slice %arg3[%add3A, %dma_start3A, %dma_start3A_15] : memref<32x79x128xi32, #tpu.memory_space<hbm>> -> memref<1x79x128xi32, #tpu.memory_space<hbm>>
      %dma_start3A_17 = tpu.memref_squeeze %dma_start3A_16 : memref<1x79x128xi32, #tpu.memory_space<hbm>> -> memref<79x128xi32, #tpu.memory_space<hbm>>
      %dma_start3A_18 = arith.constant 0 : i32
      %dma_start3A_19 = arith.constant 0 : i32
      %dma_start3A_20 = tpu.memref_slice %arg3[%add3A, %dma_start3A_18, %dma_start3A_19] : memref<32x79x128xi32, #tpu.memory_space<hbm>> -> memref<1x79x128xi32, #tpu.memory_space<hbm>>
      %dma_start3A_21 = tpu.memref_squeeze %dma_start3A_20 : memref<1x79x128xi32, #tpu.memory_space<hbm>> -> memref<79x128xi32, #tpu.memory_space<hbm>>
      tpu.enqueue_dma source(%dma_start3A_21 : memref<79x128xi32, #tpu.memory_space<hbm>>) target(%arg7 : memref<79x128xi32, #tpu.memory_space<vmem>>) target_semaphore(%run_scoped3A : memref<!tpu.dma_semaphore, #tpu.memory_space<semaphore_mem>>)
      %dma_wait3A = arith.constant 0 : i32
      %dma_wait3A_22 = arith.constant 0 : i32
      %dma_wait3A_23 = tpu.memref_slice %arg3[%add3A, %dma_wait3A, %dma_wait3A_22] : memref<32x79x128xi32, #tpu.memory_space<hbm>> -> memref<1x79x128xi32, #tpu.memory_space<hbm>>
      %dma_wait3A_24 = tpu.memref_squeeze %dma_wait3A_23 : memref<1x79x128xi32, #tpu.memory_space<hbm>> -> memref<79x128xi32, #tpu.memory_space<hbm>>
      %dma_wait3A_25 = arith.constant 0 : i32
      %dma_wait3A_26 = arith.constant 0 : i32
      %dma_wait3A_27 = tpu.memref_slice %arg3[%add3A, %dma_wait3A_25, %dma_wait3A_26] : memref<32x79x128xi32, #tpu.memory_space<hbm>> -> memref<1x79x128xi32, #tpu.memory_space<hbm>>
      %dma_wait3A_28 = tpu.memref_squeeze %dma_wait3A_27 : memref<1x79x128xi32, #tpu.memory_space<hbm>> -> memref<79x128xi32, #tpu.memory_space<hbm>>
      tpu.wait_dma2 semaphore(%run_scoped3A : memref<!tpu.dma_semaphore, #tpu.memory_space<semaphore_mem>>) src(%dma_wait3A_28 : memref<79x128xi32, #tpu.memory_space<hbm>>) dst(%arg7 : memref<79x128xi32, #tpu.memory_space<vmem>>)
      tpu.yield
    }) : () -> ()
    "tpu.region"() ({
      %run_scoped3A = tpu.sem_alloc : memref<!tpu.dma_semaphore, #tpu.memory_space<semaphore_mem>>
      %dma_start3A = arith.constant 0 : i32
      %dma_start3A_15 = arith.constant 0 : i32
      %dma_start3A_16 = tpu.memref_slice %arg4[%add3A, %dma_start3A, %dma_start3A_15] : memref<32x79x128xi32, #tpu.memory_space<hbm>> -> memref<1x79x128xi32, #tpu.memory_space<hbm>>
      %dma_start3A_17 = tpu.memref_squeeze %dma_start3A_16 : memref<1x79x128xi32, #tpu.memory_space<hbm>> -> memref<79x128xi32, #tpu.memory_space<hbm>>
      %dma_start3A_18 = arith.constant 0 : i32
      %dma_start3A_19 = arith.constant 0 : i32
      %dma_start3A_20 = tpu.memref_slice %arg4[%add3A, %dma_start3A_18, %dma_start3A_19] : memref<32x79x128xi32, #tpu.memory_space<hbm>> -> memref<1x79x128xi32, #tpu.memory_space<hbm>>
      %dma_start3A_21 = tpu.memref_squeeze %dma_start3A_20 : memref<1x79x128xi32, #tpu.memory_space<hbm>> -> memref<79x128xi32, #tpu.memory_space<hbm>>
      tpu.enqueue_dma source(%dma_start3A_21 : memref<79x128xi32, #tpu.memory_space<hbm>>) target(%arg8 : memref<79x128xi32, #tpu.memory_space<vmem>>) target_semaphore(%run_scoped3A : memref<!tpu.dma_semaphore, #tpu.memory_space<semaphore_mem>>)
      %dma_wait3A = arith.constant 0 : i32
      %dma_wait3A_22 = arith.constant 0 : i32
      %dma_wait3A_23 = tpu.memref_slice %arg4[%add3A, %dma_wait3A, %dma_wait3A_22] : memref<32x79x128xi32, #tpu.memory_space<hbm>> -> memref<1x79x128xi32, #tpu.memory_space<hbm>>
      %dma_wait3A_24 = tpu.memref_squeeze %dma_wait3A_23 : memref<1x79x128xi32, #tpu.memory_space<hbm>> -> memref<79x128xi32, #tpu.memory_space<hbm>>
      %dma_wait3A_25 = arith.constant 0 : i32
      %dma_wait3A_26 = arith.constant 0 : i32
      %dma_wait3A_27 = tpu.memref_slice %arg4[%add3A, %dma_wait3A_25, %dma_wait3A_26] : memref<32x79x128xi32, #tpu.memory_space<hbm>> -> memref<1x79x128xi32, #tpu.memory_space<hbm>>
      %dma_wait3A_28 = tpu.memref_squeeze %dma_wait3A_27 : memref<1x79x128xi32, #tpu.memory_space<hbm>> -> memref<79x128xi32, #tpu.memory_space<hbm>>
      tpu.wait_dma2 semaphore(%run_scoped3A : memref<!tpu.dma_semaphore, #tpu.memory_space<semaphore_mem>>) src(%dma_wait3A_28 : memref<79x128xi32, #tpu.memory_space<hbm>>) dst(%arg8 : memref<79x128xi32, #tpu.memory_space<vmem>>)
      tpu.yield
    }) : () -> ()
    %barrier3A = arith.constant 0 : index
    tpu.barrier barrier_id(%barrier3A)
    %scan3A = arith.constant 0 : i32
    %scan3A_3 = arith.constant 0 : i32
    %scan3A_4 = arith.constant 79 : i32
    %scan3A_5 = arith.addi %scan3A_3, %scan3A_4 : i32
    %scan3A_6 = arith.constant 1 : i32
    scf.for %scan3A_15 = %scan3A_3 to %scan3A_5 step %scan3A_6  : i32 {
      %dma_start3A = arith.constant 0 : i32
      %dma_start3A_16 = tpu.memref_slice %arg7[%scan3A_15, %dma_start3A] : memref<79x128xi32, #tpu.memory_space<vmem>> -> memref<1x128xi32, #tpu.memory_space<vmem>>
      %dma_start3A_17 = tpu.memref_squeeze %dma_start3A_16 : memref<1x128xi32, #tpu.memory_space<vmem>> -> memref<128xi32, #tpu.memory_space<vmem>>
      %dma_start3A_18 = arith.constant 0 : i32
      %dma_start3A_19 = arith.constant 0 : i32
      %dma_start3A_20 = tpu.memref_slice %arg2[%dma_start3A_18, %dma_start3A_19] : memref<10000x128xf32, #tpu.memory_space<hbm>> -> memref<10000x128xf32, #tpu.memory_space<hbm>>
      tpu.enqueue_indirect_dma source(%dma_start3A_20 : memref<10000x128xf32, #tpu.memory_space<hbm>>) target(%arg9 : memref<128x128xf32, #tpu.memory_space<vmem>>) offsets(%dma_start3A_17 : memref<128xi32, #tpu.memory_space<vmem>>) semaphore(%arg11 : memref<!tpu.dma_semaphore, #tpu.memory_space<semaphore_mem>>)
      %dma_wait3A = arith.constant 0 : i32
      %dma_wait3A_21 = tpu.memref_slice %arg7[%scan3A_15, %dma_wait3A] : memref<79x128xi32, #tpu.memory_space<vmem>> -> memref<1x128xi32, #tpu.memory_space<vmem>>
      %dma_wait3A_22 = tpu.memref_squeeze %dma_wait3A_21 : memref<1x128xi32, #tpu.memory_space<vmem>> -> memref<128xi32, #tpu.memory_space<vmem>>
      %dma_wait3A_23 = arith.constant 0 : i32
      %dma_wait3A_24 = arith.constant 0 : i32
      %dma_wait3A_25 = tpu.memref_slice %arg2[%dma_wait3A_23, %dma_wait3A_24] : memref<10000x128xf32, #tpu.memory_space<hbm>> -> memref<10000x128xf32, #tpu.memory_space<hbm>>
      tpu.wait_indirect_dma semaphore(%arg11 : memref<!tpu.dma_semaphore, #tpu.memory_space<semaphore_mem>>) src(%dma_wait3A_25 : memref<10000x128xf32, #tpu.memory_space<hbm>>) dst(%arg9 : memref<128x128xf32, #tpu.memory_space<vmem>>)
      "tpu.region"() ({
        %run_scoped3A = tpu.sem_alloc : memref<!tpu.dma_semaphore, #tpu.memory_space<semaphore_mem>>
        %dma_start3A_26 = arith.constant 0 : i32
        %dma_start3A_27 = tpu.memref_slice %arg8[%scan3A_15, %dma_start3A_26] : memref<79x128xi32, #tpu.memory_space<vmem>> -> memref<1x128xi32, #tpu.memory_space<vmem>>
        %dma_start3A_28 = tpu.memref_squeeze %dma_start3A_27 : memref<1x128xi32, #tpu.memory_space<vmem>> -> memref<128xi32, #tpu.memory_space<vmem>>
        %dma_start3A_29 = arith.constant 0 : i32
        %dma_start3A_30 = arith.constant 0 : i32
        %dma_start3A_31 = tpu.memref_slice %arg10[%dma_start3A_29, %dma_start3A_30] : memref<10240x128xf32, #tpu.memory_space<vmem_shared>> -> memref<10240x128xf32, #tpu.memory_space<vmem_shared>>
        tpu.enqueue_indirect_dma source(%arg9 : memref<128x128xf32, #tpu.memory_space<vmem>>) target(%dma_start3A_31 : memref<10240x128xf32, #tpu.memory_space<vmem_shared>>) offsets(%dma_start3A_28 : memref<128xi32, #tpu.memory_space<vmem>>) semaphore(%run_scoped3A : memref<!tpu.dma_semaphore, #tpu.memory_space<semaphore_mem>>) {add = true}
        %dma_wait3A_32 = arith.constant 0 : i32
        %dma_wait3A_33 = tpu.memref_slice %arg8[%scan3A_15, %dma_wait3A_32] : memref<79x128xi32, #tpu.memory_space<vmem>> -> memref<1x128xi32, #tpu.memory_space<vmem>>
        %dma_wait3A_34 = tpu.memref_squeeze %dma_wait3A_33 : memref<1x128xi32, #tpu.memory_space<vmem>> -> memref<128xi32, #tpu.memory_space<vmem>>
        %dma_wait3A_35 = arith.constant 0 : i32
        %dma_wait3A_36 = arith.constant 0 : i32
        %dma_wait3A_37 = tpu.memref_slice %arg10[%dma_wait3A_35, %dma_wait3A_36] : memref<10240x128xf32, #tpu.memory_space<vmem_shared>> -> memref<10240x128xf32, #tpu.memory_space<vmem_shared>>
        tpu.wait_indirect_dma semaphore(%run_scoped3A : memref<!tpu.dma_semaphore, #tpu.memory_space<semaphore_mem>>) src(%arg9 : memref<128x128xf32, #tpu.memory_space<vmem>>) dst(%dma_wait3A_37 : memref<10240x128xf32, #tpu.memory_space<vmem_shared>>)
        tpu.yield
      }) : () -> ()
    }
    %scan3A_7 = arith.constant 79 : i32
    %barrier3A_8 = arith.constant 0 : index
    tpu.barrier barrier_id(%barrier3A_8)
    %mul3A_9 = arith.constant 624 : i32
    %mul3A_10 = arith.muli %arg1, %mul3A_9 : i32
    %mul3A_11 = arith.constant 624 : i32
    %mul3A_12 = arith.muli %arg1, %mul3A_11 : i32
    "tpu.region"() ({
      %run_scoped3A = tpu.sem_alloc : memref<!tpu.dma_semaphore, #tpu.memory_space<semaphore_mem>>
      %dma_start3A = arith.constant 0 : i32
      %dma_start3A_15 = tpu.memref_slice %arg6[%arg0, %mul3A_12, %dma_start3A] : memref<2x10000x128xf32, #tpu.memory_space<hbm>> -> memref<1x624x128xf32, #tpu.memory_space<hbm>>
      %dma_start3A_16 = tpu.memref_squeeze %dma_start3A_15 : memref<1x624x128xf32, #tpu.memory_space<hbm>> -> memref<624x128xf32, #tpu.memory_space<hbm>>
      %dma_start3A_17 = arith.constant 0 : i32
      %dma_start3A_18 = tpu.memref_slice %arg10[%mul3A_10, %dma_start3A_17] : memref<10240x128xf32, #tpu.memory_space<vmem_shared>> -> memref<624x128xf32, #tpu.memory_space<vmem_shared>>
      tpu.enqueue_dma source(%dma_start3A_18 : memref<624x128xf32, #tpu.memory_space<vmem_shared>>) target(%dma_start3A_16 : memref<624x128xf32, #tpu.memory_space<hbm>>) target_semaphore(%run_scoped3A : memref<!tpu.dma_semaphore, #tpu.memory_space<semaphore_mem>>)
      %dma_wait3A = arith.constant 0 : i32
      %dma_wait3A_19 = tpu.memref_slice %arg6[%arg0, %mul3A_12, %dma_wait3A] : memref<2x10000x128xf32, #tpu.memory_space<hbm>> -> memref<1x624x128xf32, #tpu.memory_space<hbm>>
      %dma_wait3A_20 = tpu.memref_squeeze %dma_wait3A_19 : memref<1x624x128xf32, #tpu.memory_space<hbm>> -> memref<624x128xf32, #tpu.memory_space<hbm>>
      %dma_wait3A_21 = arith.constant 0 : i32
      %dma_wait3A_22 = tpu.memref_slice %arg10[%mul3A_10, %dma_wait3A_21] : memref<10240x128xf32, #tpu.memory_space<vmem_shared>> -> memref<624x128xf32, #tpu.memory_space<vmem_shared>>
      tpu.wait_dma2 semaphore(%run_scoped3A : memref<!tpu.dma_semaphore, #tpu.memory_space<semaphore_mem>>) src(%dma_wait3A_22 : memref<624x128xf32, #tpu.memory_space<vmem_shared>>) dst(%dma_wait3A_20 : memref<624x128xf32, #tpu.memory_space<hbm>>)
      tpu.yield
    }) : () -> ()
    %eq3A = arith.constant 15 : i32
    %eq3A_13 = arith.cmpi eq, %arg1, %eq3A : i32
    %convert_element_type3A = arith.extui %eq3A_13 : i1 to i32
    %cond3A = arith.constant 0 : i32
    %cond3A_14 = arith.cmpi ne, %convert_element_type3A, %cond3A : i32
    scf.if %cond3A_14 {
      "tpu.region"() ({
        %run_scoped3A = tpu.sem_alloc : memref<!tpu.dma_semaphore, #tpu.memory_space<semaphore_mem>>
        %dma_start3A = arith.constant 9984 : i32
        %dma_start3A_15 = arith.constant 0 : i32
        %dma_start3A_16 = tpu.memref_slice %arg6[%arg0, %dma_start3A, %dma_start3A_15] : memref<2x10000x128xf32, #tpu.memory_space<hbm>> -> memref<1x16x128xf32, #tpu.memory_space<hbm>>
        %dma_start3A_17 = tpu.memref_squeeze %dma_start3A_16 : memref<1x16x128xf32, #tpu.memory_space<hbm>> -> memref<16x128xf32, #tpu.memory_space<hbm>>
        %dma_start3A_18 = arith.constant 9984 : i32
        %dma_start3A_19 = arith.constant 0 : i32
        %dma_start3A_20 = tpu.memref_slice %arg10[%dma_start3A_18, %dma_start3A_19] : memref<10240x128xf32, #tpu.memory_space<vmem_shared>> -> memref<16x128xf32, #tpu.memory_space<vmem_shared>>
        tpu.enqueue_dma source(%dma_start3A_20 : memref<16x128xf32, #tpu.memory_space<vmem_shared>>) target(%dma_start3A_17 : memref<16x128xf32, #tpu.memory_space<hbm>>) target_semaphore(%run_scoped3A : memref<!tpu.dma_semaphore, #tpu.memory_space<semaphore_mem>>)
        %dma_wait3A = arith.constant 9984 : i32
        %dma_wait3A_21 = arith.constant 0 : i32
        %dma_wait3A_22 = tpu.memref_slice %arg6[%arg0, %dma_wait3A, %dma_wait3A_21] : memref<2x10000x128xf32, #tpu.memory_space<hbm>> -> memref<1x16x128xf32, #tpu.memory_space<hbm>>
        %dma_wait3A_23 = tpu.memref_squeeze %dma_wait3A_22 : memref<1x16x128xf32, #tpu.memory_space<hbm>> -> memref<16x128xf32, #tpu.memory_space<hbm>>
        %dma_wait3A_24 = arith.constant 9984 : i32
        %dma_wait3A_25 = arith.constant 0 : i32
        %dma_wait3A_26 = tpu.memref_slice %arg10[%dma_wait3A_24, %dma_wait3A_25] : memref<10240x128xf32, #tpu.memory_space<vmem_shared>> -> memref<16x128xf32, #tpu.memory_space<vmem_shared>>
        tpu.wait_dma2 semaphore(%run_scoped3A : memref<!tpu.dma_semaphore, #tpu.memory_space<semaphore_mem>>) src(%dma_wait3A_26 : memref<16x128xf32, #tpu.memory_space<vmem_shared>>) dst(%dma_wait3A_23 : memref<16x128xf32, #tpu.memory_space<hbm>>)
        tpu.yield
      }) : () -> ()
    } else {
    }
    return
  }
}

module attributes {stable_mosaic.version = 14 : i64} {
  func.func @_mm_first_body(%arg0: i32, %arg1: memref<1000x128xf32, #tpu.memory_space<vmem>>, %arg2: memref<128x128xf32, #tpu.memory_space<vmem>>, %arg3: memref<1000x1xf32, #tpu.memory_space<vmem>>, %arg4: memref<1000x128xf32, #tpu.memory_space<vmem>>) attributes {dimension_semantics = [#tpu.dimension_semantics<arbitrary>], iteration_bounds = array<i64: 10>, scalar_prefetch = 0 : i64, scratch_operands = 0 : i64, tpu.core_type = #tpu.core_type<tc>, window_params = [{transform_indices = @transform_0, window_bounds = array<i64: 1000, 128>}, {pipeline_mode = #tpu.pipeline_mode<synchronous>, transform_indices = @transform_1, window_bounds = array<i64: 128, 128>}, {transform_indices = @transform_2, window_bounds = array<i64: 1000, 1>}, {transform_indices = @transform_3, window_bounds = array<i64: 1000, 128>}]} {
    %get3A = arith.constant 0 : index
    %get3A_0 = arith.constant 0 : index
    %get3A_1 = vector.load %arg3[%get3A, %get3A_0] : memref<1000x1xf32, #tpu.memory_space<vmem>>, vector<1000x1xf32>
    %add3A = arith.constant 1.000000e+00 : f32
    %add3A_2 = vector.broadcast %add3A : f32 to vector<1000x1xf32>
    %add3A_3 = arith.addf %get3A_1, %add3A_2 : vector<1000x1xf32>
    %rsqrt3A = math.rsqrt %add3A_3 : vector<1000x1xf32>
    %get3A_4 = arith.constant 0 : index
    %get3A_5 = arith.constant 0 : index
    %get3A_6 = vector.load %arg1[%get3A_4, %get3A_5] : memref<1000x128xf32, #tpu.memory_space<vmem>>, vector<1000x128xf32>
    %get3A_7 = arith.constant 0 : index
    %get3A_8 = arith.constant 0 : index
    %get3A_9 = vector.load %arg2[%get3A_7, %get3A_8] : memref<128x128xf32, #tpu.memory_space<vmem>>, vector<128x128xf32>
    %dot_general3A = arith.constant dense<0.000000e+00> : vector<1000x128xf32>
    %dot_general3A_10 = tpu.matmul %get3A_6, %get3A_9, %dot_general3A {dimension_numbers = #tpu.dot_dimension_numbers<[1], [0], [0], [1], [0, 0, 1, 1], [], []>, transpose_lhs_hint = false} : vector<1000x128xf32>, vector<128x128xf32>, vector<1000x128xf32> -> vector<1000x128xf32>
    %mul3A = vector.broadcast %rsqrt3A : vector<1000x1xf32> to vector<1000x128xf32>
    %mul3A_11 = arith.mulf %dot_general3A_10, %mul3A : vector<1000x128xf32>
    %swap3A = arith.constant 0 : index
    %swap3A_12 = arith.constant 0 : index
    %swap3A_13 = vector.load %arg4[%swap3A, %swap3A_12] : memref<1000x128xf32, #tpu.memory_space<vmem>>, vector<1000x128xf32>
    tpu.vector_store %arg4[%swap3A, %swap3A_12], %mul3A_11 {strides = array<i32>} : memref<1000x128xf32, #tpu.memory_space<vmem>>, vector<1000x128xf32>,
    return
  }
  func.func @transform_0(%arg0: i32) -> (i32, i32) {
    %c0_i32 = arith.constant 0 : i32
    %c0_i32_0 = arith.constant 0 : i32
    return %arg0, %c0_i32 : i32, i32
  }
  func.func @transform_1(%arg0: i32) -> (i32, i32) {
    %c0_i32 = arith.constant 0 : i32
    %c0_i32_0 = arith.constant 0 : i32
    %c0_i32_1 = arith.constant 0 : i32
    return %c0_i32, %c0_i32_0 : i32, i32
  }
  func.func @transform_2(%arg0: i32) -> (i32, i32) {
    %c0_i32 = arith.constant 0 : i32
    %c0_i32_0 = arith.constant 0 : i32
    return %arg0, %c0_i32 : i32, i32
  }
  func.func @transform_3(%arg0: i32) -> (i32, i32) {
    %c0_i32 = arith.constant 0 : i32
    %c0_i32_0 = arith.constant 0 : i32
    return %arg0, %c0_i32 : i32, i32
  }
}

module attributes {stable_mosaic.version = 14 : i64} {
  func.func @_mm_mid_body(%arg0: i32, %arg1: memref<1000x128xf32, #tpu.memory_space<vmem>>, %arg2: memref<1000x128xf32, #tpu.memory_space<vmem>>, %arg3: memref<1000x128xf32, #tpu.memory_space<vmem>>, %arg4: memref<1000x1xf32, #tpu.memory_space<vmem>>, %arg5: memref<1x128xf32, #tpu.memory_space<vmem>>, %arg6: memref<128x128xf32, #tpu.memory_space<vmem>>, %arg7: memref<1000x128xf32, #tpu.memory_space<vmem>>) attributes {dimension_semantics = [#tpu.dimension_semantics<arbitrary>], iteration_bounds = array<i64: 10>, scalar_prefetch = 0 : i64, scratch_operands = 0 : i64, tpu.core_type = #tpu.core_type<tc>, window_params = [{transform_indices = @transform_0, window_bounds = array<i64: 1000, 128>}, {transform_indices = @transform_1, window_bounds = array<i64: 1000, 128>}, {transform_indices = @transform_2, window_bounds = array<i64: 1000, 128>}, {transform_indices = @transform_3, window_bounds = array<i64: 1000, 1>}, {pipeline_mode = #tpu.pipeline_mode<synchronous>, transform_indices = @transform_4, window_bounds = array<i64: 1, 128>}, {pipeline_mode = #tpu.pipeline_mode<synchronous>, transform_indices = @transform_5, window_bounds = array<i64: 128, 128>}, {transform_indices = @transform_6, window_bounds = array<i64: 1000, 128>}]} {
    %get3A = arith.constant 0 : index
    %get3A_0 = arith.constant 0 : index
    %get3A_1 = vector.load %arg4[%get3A, %get3A_0] : memref<1000x1xf32, #tpu.memory_space<vmem>>, vector<1000x1xf32>
    %add3A = arith.constant 1.000000e+00 : f32
    %add3A_2 = vector.broadcast %add3A : f32 to vector<1000x1xf32>
    %add3A_3 = arith.addf %get3A_1, %add3A_2 : vector<1000x1xf32>
    %rsqrt3A = math.rsqrt %add3A_3 : vector<1000x1xf32>
    %get3A_4 = arith.constant 0 : index
    %get3A_5 = arith.constant 0 : index
    %get3A_6 = vector.load %arg1[%get3A_4, %get3A_5] : memref<1000x128xf32, #tpu.memory_space<vmem>>, vector<1000x128xf32>
    %get3A_7 = arith.constant 0 : index
    %get3A_8 = arith.constant 0 : index
    %get3A_9 = vector.load %arg2[%get3A_7, %get3A_8] : memref<1000x128xf32, #tpu.memory_space<vmem>>, vector<1000x128xf32>
    %add3A_10 = arith.addf %get3A_6, %get3A_9 : vector<1000x128xf32>
    %get3A_11 = arith.constant 0 : index
    %get3A_12 = arith.constant 0 : index
    %get3A_13 = vector.load %arg3[%get3A_11, %get3A_12] : memref<1000x128xf32, #tpu.memory_space<vmem>>, vector<1000x128xf32>
    %add3A_14 = arith.addf %add3A_10, %get3A_13 : vector<1000x128xf32>
    %mul3A = vector.broadcast %rsqrt3A : vector<1000x1xf32> to vector<1000x128xf32>
    %mul3A_15 = arith.mulf %mul3A, %add3A_14 : vector<1000x128xf32>
    %get3A_16 = arith.constant 0 : index
    %get3A_17 = arith.constant 0 : index
    %get3A_18 = vector.load %arg5[%get3A_16, %get3A_17] : memref<1x128xf32, #tpu.memory_space<vmem>>, vector<1x128xf32>
    %add3A_19 = vector.broadcast %get3A_18 : vector<1x128xf32> to vector<1000x128xf32>
    %add3A_20 = arith.addf %mul3A_15, %add3A_19 : vector<1000x128xf32>
    %max3A = arith.constant 0.000000e+00 : f32
    %max3A_21 = vector.broadcast %max3A : f32 to vector<1000x128xf32>
    %max3A_22 = arith.maximumf %add3A_20, %max3A_21 : vector<1000x128xf32>
    %get3A_23 = arith.constant 0 : index
    %get3A_24 = arith.constant 0 : index
    %get3A_25 = vector.load %arg6[%get3A_23, %get3A_24] : memref<128x128xf32, #tpu.memory_space<vmem>>, vector<128x128xf32>
    %dot_general3A = arith.constant dense<0.000000e+00> : vector<1000x128xf32>
    %dot_general3A_26 = tpu.matmul %max3A_22, %get3A_25, %dot_general3A {dimension_numbers = #tpu.dot_dimension_numbers<[1], [0], [0], [1], [0, 0, 1, 1], [], []>, transpose_lhs_hint = false} : vector<1000x128xf32>, vector<128x128xf32>, vector<1000x128xf32> -> vector<1000x128xf32>
    %mul3A_27 = vector.broadcast %rsqrt3A : vector<1000x1xf32> to vector<1000x128xf32>
    %mul3A_28 = arith.mulf %dot_general3A_26, %mul3A_27 : vector<1000x128xf32>
    %swap3A = arith.constant 0 : index
    %swap3A_29 = arith.constant 0 : index
    %swap3A_30 = vector.load %arg7[%swap3A, %swap3A_29] : memref<1000x128xf32, #tpu.memory_space<vmem>>, vector<1000x128xf32>
    tpu.vector_store %arg7[%swap3A, %swap3A_29], %mul3A_28 {strides = array<i32>} : memref<1000x128xf32, #tpu.memory_space<vmem>>, vector<1000x128xf32>,
    return
  }
  func.func @transform_0(%arg0: i32) -> (i32, i32) {
    %c0_i32 = arith.constant 0 : i32
    %c0_i32_0 = arith.constant 0 : i32
    return %arg0, %c0_i32 : i32, i32
  }
  func.func @transform_1(%arg0: i32) -> (i32, i32) {
    %c0_i32 = arith.constant 0 : i32
    %c0_i32_0 = arith.constant 0 : i32
    return %arg0, %c0_i32 : i32, i32
  }
  func.func @transform_2(%arg0: i32) -> (i32, i32) {
    %c0_i32 = arith.constant 0 : i32
    %c0_i32_0 = arith.constant 0 : i32
    return %arg0, %c0_i32 : i32, i32
  }
  func.func @transform_3(%arg0: i32) -> (i32, i32) {
    %c0_i32 = arith.constant 0 : i32
    %c0_i32_0 = arith.constant 0 : i32
    return %arg0, %c0_i32 : i32, i32
  }
  func.func @transform_4(%arg0: i32) -> (i32, i32) {
    %c0_i32 = arith.constant 0 : i32
    %c0_i32_0 = arith.constant 0 : i32
    %c0_i32_1 = arith.constant 0 : i32
    return %c0_i32, %c0_i32_0 : i32, i32
  }
  func.func @transform_5(%arg0: i32) -> (i32, i32) {
    %c0_i32 = arith.constant 0 : i32
    %c0_i32_0 = arith.constant 0 : i32
    %c0_i32_1 = arith.constant 0 : i32
    return %c0_i32, %c0_i32_0 : i32, i32
  }
  func.func @transform_6(%arg0: i32) -> (i32, i32) {
    %c0_i32 = arith.constant 0 : i32
    %c0_i32_0 = arith.constant 0 : i32
    return %arg0, %c0_i32 : i32, i32
  }
}

module attributes {stable_mosaic.version = 14 : i64} {
  func.func @_final_body(%arg0: i32, %arg1: memref<1000x128xf32, #tpu.memory_space<vmem>>, %arg2: memref<1000x128xf32, #tpu.memory_space<vmem>>, %arg3: memref<1000x128xf32, #tpu.memory_space<vmem>>, %arg4: memref<1000x1xf32, #tpu.memory_space<vmem>>, %arg5: memref<1x128xf32, #tpu.memory_space<vmem>>, %arg6: memref<1000x128xf32, #tpu.memory_space<vmem>>) attributes {dimension_semantics = [#tpu.dimension_semantics<arbitrary>], iteration_bounds = array<i64: 10>, scalar_prefetch = 0 : i64, scratch_operands = 0 : i64, tpu.core_type = #tpu.core_type<tc>, window_params = [{transform_indices = @transform_0, window_bounds = array<i64: 1000, 128>}, {transform_indices = @transform_1, window_bounds = array<i64: 1000, 128>}, {transform_indices = @transform_2, window_bounds = array<i64: 1000, 128>}, {transform_indices = @transform_3, window_bounds = array<i64: 1000, 1>}, {pipeline_mode = #tpu.pipeline_mode<synchronous>, transform_indices = @transform_4, window_bounds = array<i64: 1, 128>}, {transform_indices = @transform_5, window_bounds = array<i64: 1000, 128>}]} {
    %get3A = arith.constant 0 : index
    %get3A_0 = arith.constant 0 : index
    %get3A_1 = vector.load %arg4[%get3A, %get3A_0] : memref<1000x1xf32, #tpu.memory_space<vmem>>, vector<1000x1xf32>
    %add3A = arith.constant 1.000000e+00 : f32
    %add3A_2 = vector.broadcast %add3A : f32 to vector<1000x1xf32>
    %add3A_3 = arith.addf %get3A_1, %add3A_2 : vector<1000x1xf32>
    %rsqrt3A = math.rsqrt %add3A_3 : vector<1000x1xf32>
    %get3A_4 = arith.constant 0 : index
    %get3A_5 = arith.constant 0 : index
    %get3A_6 = vector.load %arg1[%get3A_4, %get3A_5] : memref<1000x128xf32, #tpu.memory_space<vmem>>, vector<1000x128xf32>
    %get3A_7 = arith.constant 0 : index
    %get3A_8 = arith.constant 0 : index
    %get3A_9 = vector.load %arg2[%get3A_7, %get3A_8] : memref<1000x128xf32, #tpu.memory_space<vmem>>, vector<1000x128xf32>
    %add3A_10 = arith.addf %get3A_6, %get3A_9 : vector<1000x128xf32>
    %get3A_11 = arith.constant 0 : index
    %get3A_12 = arith.constant 0 : index
    %get3A_13 = vector.load %arg3[%get3A_11, %get3A_12] : memref<1000x128xf32, #tpu.memory_space<vmem>>, vector<1000x128xf32>
    %add3A_14 = arith.addf %add3A_10, %get3A_13 : vector<1000x128xf32>
    %mul3A = vector.broadcast %rsqrt3A : vector<1000x1xf32> to vector<1000x128xf32>
    %mul3A_15 = arith.mulf %mul3A, %add3A_14 : vector<1000x128xf32>
    %get3A_16 = arith.constant 0 : index
    %get3A_17 = arith.constant 0 : index
    %get3A_18 = vector.load %arg5[%get3A_16, %get3A_17] : memref<1x128xf32, #tpu.memory_space<vmem>>, vector<1x128xf32>
    %add3A_19 = vector.broadcast %get3A_18 : vector<1x128xf32> to vector<1000x128xf32>
    %add3A_20 = arith.addf %mul3A_15, %add3A_19 : vector<1000x128xf32>
    %swap3A = arith.constant 0 : index
    %swap3A_21 = arith.constant 0 : index
    %swap3A_22 = vector.load %arg6[%swap3A, %swap3A_21] : memref<1000x128xf32, #tpu.memory_space<vmem>>, vector<1000x128xf32>
    tpu.vector_store %arg6[%swap3A, %swap3A_21], %add3A_20 {strides = array<i32>} : memref<1000x128xf32, #tpu.memory_space<vmem>>, vector<1000x128xf32>,
    return
  }
  func.func @transform_0(%arg0: i32) -> (i32, i32) {
    %c0_i32 = arith.constant 0 : i32
    %c0_i32_0 = arith.constant 0 : i32
    return %arg0, %c0_i32 : i32, i32
  }
  func.func @transform_1(%arg0: i32) -> (i32, i32) {
    %c0_i32 = arith.constant 0 : i32
    %c0_i32_0 = arith.constant 0 : i32
    return %arg0, %c0_i32 : i32, i32
  }
  func.func @transform_2(%arg0: i32) -> (i32, i32) {
    %c0_i32 = arith.constant 0 : i32
    %c0_i32_0 = arith.constant 0 : i32
    return %arg0, %c0_i32 : i32, i32
  }
  func.func @transform_3(%arg0: i32) -> (i32, i32) {
    %c0_i32 = arith.constant 0 : i32
    %c0_i32_0 = arith.constant 0 : i32
    return %arg0, %c0_i32 : i32, i32
  }
  func.func @transform_4(%arg0: i32) -> (i32, i32) {
    %c0_i32 = arith.constant 0 : i32
    %c0_i32_0 = arith.constant 0 : i32
    %c0_i32_1 = arith.constant 0 : i32
    return %c0_i32, %c0_i32_0 : i32, i32
  }
  func.func @transform_5(%arg0: i32) -> (i32, i32) {
    %c0_i32 = arith.constant 0 : i32
    %c0_i32_0 = arith.constant 0 : i32
    return %arg0, %c0_i32 : i32, i32
  }
}

</mosaic_0001>

<sc_bundles>
// kernel: kernel.10.cloned.1.call-start
scs
__scs_entry_jumppad:
0x0: {  	(pc) =	sbr.rel $0x88, $3  }
0x1: {  	(tag) =	ssettag $0x0;
	lr =	simm.s32 $0x1  }
0x2: {  	[smem:$0x3F99] =	sst lr;
	_ =	strace $0xD0000000  }
0x3: {  	_ = 	snop  }
0x4: {  	_ = 	snop  }
0x5: {  	_ = 	snop  }
0x6: {  	_ = 	snop  }
0x7: {  	_ = 	snop  }
__scs_overlays_trampoline_lowered:
0x8: {  	[smem:$0x3FA8] =	sst s0  }
0x9: {  	[smem:$0x3FA9] =	sst s1  }
0xa: {  	[smem:$0x3FAA] =	sst s2  }
0xb: {  	[smem:$0x3FAB] =	sst s3  }
0xc: {  	[smem:$0x3FAC] =	sst s4  }
0xd: {  	[smem:$0x3FAD] =	sst s5  }
0xe: {  	[smem:$0x3FAE] =	sst s6  }
0xf: {  	[smem:$0x3FAF] =	sst s7  }
0x10: {  	[smem:$0x3FB0] =	sst s8  }
0x11: {  	[smem:$0x3FB1] =	sst s9;
	s0 =	simm.s32 @!p0 $0x0  }
0x12: {  	s1 =	sld [smem:$0x3F97];
	s0 =	simm.s32 @p0 $0x1  }
0x13: {  	[smem:$0x3FB2] =	sst s0;
	s0 =	simm.s32 @!p1 $0x0  }
0x14: {  	s2 =	sld [smem:$0x3F96];
	s0 =	simm.s32 @p1 $0x1  }
0x15: {  	[smem:$0x3FB3] =	sst s0;
	s0 =	simm.s32 @!p2 $0x0  }
0x16: {  	s3 =	sld [smem:$0x3FDB];
	s0 =	simm.s32 @p2 $0x1  }
0x17: {  	s4 =	simm.s32 $0x1BF5;
	[smem:$0x3FB5] =	sst s0  }
0x18: {  	s0 =	sld [smem:$0x3F98];
	_ =	swait.ge [sflag:s4], $0x0  }
0x19: {  	s7 =	sld [smem:$0x3F99]  }
0x1a: {  	s8 =	sadd.s32 $0xFFFFE003, lr  }
0x1b: {  	s9 =	sadd.s32 $0xFFFFFEF7, lr;
	s5 =	simm.s32 $0xFFFFFFFF;
	p2 =	slt.u32 s8, $0xFFFFF086  }
0x1c: {  	p1 =	slt.u32 s9, $0xF7A;
	s5 =	simm.s32 @!p2 $0x0  }
0x1d: {  	s5 =	simm.s32 @p1 $0x1;
	p0 =	seq.s32 s7, s2  }
0x1e: {  	s7 =	smul.u32 @!p0 $0xF7A, s2;
	p2 =	seq.s32 @!p0 s5, $0x0  }
0x1f: {  	s9 =	smul.u32 $0xF7A, s1;
	s8 =	simm.s32 @!p0 $0x1BF5;
	p2 =	por !p2, p0  }
0x20: {  	[sflag:s8] =	ssyncset.s32 @!p0 $0xFFFFF086;
	s6 =	sadd.s32 @!p0 s3, s7;
	s7 =	simm.s32 @!p0 $0x108  }
0x21: {  	s3 =	sadd.s32 s3, s9;
	s6 =	sadd.s32 @!p0 $0x88, s6;
	s7 =	simm.s32 @p2 $0x1082  }
0x22: {  	[simem:s7], [sflag:s8] =	dma.local @!p0 [hbm:s6], $0xF7A  }
0x23: {  	s9 =	sor.u32 $0xD0000000, s2;
	s6 =	simm.s32 $0x108;
	_ =	swait.ge @!p0 [sflag:s8], $0x0  }
0x24: {  	s3 =	sadd.s32 $0x88, s3;
	s6 =	simm.s32 @!p1 $0x1082;
	[sflag:s4] =	ssyncset.s32 $0xFFFFF086  }
0x25: {  	[simem:s6], [sflag:s4] =	dma.local [hbm:s3], $0xF7A  }
0x26: {  	[smem:$0x3F99] =	sst s1;
	(tag) =	ssettag s2;
	_ =	strace s9  }
0x27: {  	s1 =	sld [smem:$0x3FA9]  }
0x28: {  	s2 =	sld [smem:$0x3FAA]  }
0x29: {  	s4 =	sld [smem:$0x3FAC]  }
0x2a: {  	p0 =	seq.s32 s5, $0x0;
	s5 =	sld [smem:$0x3FAD]  }
0x2b: {  	s6 =	sld [smem:$0x3FAE]  }
0x2c: {  	s7 =	sld [smem:$0x3FAF]  }
0x2d: {  	s3 =	simm.s32 $0x108;
	s8 =	sld [smem:$0x3FB0]  }
0x2e: {  	s3 =	simm.s32 @!p0 $0x1082;
	s9 =	sld [smem:$0x3FB1]  }
0x2f: {  	lr =	sadd.s32 s0, s3;
	s0 =	sld [smem:$0x3FA8]  }
0x30: {  	s3 =	sld [smem:$0x3FAB]  }
0x31: {  	[smem:$0x3FB4] =	sst s10  }
0x32: {  	s10 =	sld [smem:$0x3FB2];
	_ =	sdelay $0x3  }
0x33: {  	p0 =	seq.s32 s10, $0x1;
	s10 =	sld [smem:$0x3FB4];
	_ =	sdelay $0x3  }
0x34: {  	[smem:$0x3FB4] =	sst s10  }
0x35: {  	s10 =	sld [smem:$0x3FB3];
	_ =	sdelay $0x3  }
0x36: {  	p1 =	seq.s32 s10, $0x1;
	s10 =	sld [smem:$0x3FB4];
	_ =	sdelay $0x3  }
0x37: {  	[smem:$0x3FB4] =	sst s10  }
0x38: {  	s10 =	sld [smem:$0x3FB5]  }
0x39: {  	_ = 	snop;
	(pc) =	sbr.ind lr, $3  }
0x3a: {  	_ = 	snop  }
0x3b: {  	_ = 	snop  }
0x3c: {  	p2 =	seq.s32 s10, $0x1;
	s10 =	sld [smem:$0x3FB4]  }
0x3d: {  	_ =	shalt  }
0x3e: {  	_ =	shalt  }
0x3f: {  	_ =	shalt  }
0x40: {  	_ =	shalt  }
0x41: {  	_ =	shalt  }
0x42: {  	_ =	shalt  }
0x43: {  	_ =	shalt  }
0x44: {  	_ =	shalt  }
0x45: {  	_ =	shalt  }
0x46: {  	_ =	shalt  }
0x47: {  	_ =	shalt  }
0x48: {  	_ =	shalt  }
0x49: {  	_ =	shalt  }
0x4a: {  	_ =	shalt  }
0x4b: {  	_ =	shalt  }
0x4c: {  	_ =	shalt  }
0x4d: {  	_ =	shalt  }
0x4e: {  	_ =	shalt  }
0x4f: {  	_ =	shalt  }
0x50: {  	_ =	shalt  }
0x51: {  	_ =	shalt  }
0x52: {  	_ =	shalt  }
0x53: {  	_ =	shalt  }
0x54: {  	_ =	shalt  }
0x55: {  	_ =	shalt  }
0x56: {  	_ =	shalt  }
0x57: {  	_ =	shalt  }
0x58: {  	_ =	shalt  }
0x59: {  	_ =	shalt  }
0x5a: {  	_ =	shalt  }
0x5b: {  	_ =	shalt  }
0x5c: {  	_ =	shalt  }
0x5d: {  	_ =	shalt  }
0x5e: {  	_ =	shalt  }
0x5f: {  	_ =	shalt  }
0x60: {  	_ =	shalt  }
0x61: {  	_ =	shalt  }
0x62: {  	_ =	shalt  }
0x63: {  	_ =	shalt  }
0x64: {  	_ =	shalt  }
0x65: {  	_ =	shalt  }
0x66: {  	_ =	shalt  }
0x67: {  	_ =	shalt  }
0x68: {  	_ =	shalt  }
0x69: {  	_ =	shalt  }
0x6a: {  	_ =	shalt  }
0x6b: {  	_ =	shalt  }
0x6c: {  	_ =	shalt  }
0x6d: {  	_ =	shalt  }
0x6e: {  	_ =	shalt  }
0x6f: {  	_ =	shalt  }
0x70: {  	_ =	shalt  }
0x71: {  	_ =	shalt  }
0x72: {  	_ =	shalt  }
0x73: {  	_ =	shalt  }
0x74: {  	_ =	shalt  }
0x75: {  	_ =	shalt  }
0x76: {  	_ =	shalt  }
0x77: {  	_ =	shalt  }
0x78: {  	_ =	shalt  }
0x79: {  	_ =	shalt  }
0x7a: {  	_ =	shalt  }
0x7b: {  	_ =	shalt  }
0x7c: {  	_ =	shalt  }
0x7d: {  	_ =	shalt  }
0x7e: {  	_ =	shalt  }
0x7f: {  	_ =	shalt  }
0x80: {  	_ =	shalt  }
0x81: {  	_ =	shalt  }
0x82: {  	_ =	shalt  }
0x83: {  	_ =	shalt  }
0x84: {  	_ =	shalt  }
0x85: {  	_ =	shalt  }
0x86: {  	_ =	shalt  }
0x87: {  	_ =	shalt  }
.Lfunc_end0:
.L_simem_size_0:
called_computation_lowered:
.L_overlay_start_0:
0x88: {  	s2 =	sld [smem:$0x3FD9]  }
0x89: {  	s3 =	sld [smem:$0x3FFE];
	_ =	sdelay $0x1  }
0x8a: {  	s1 =	srdreg.scid  }
0x8b: {  	s0 =	sand.u32 $0x1, s1  }
0x8c: {  	s17 =	sshll.u32 s0, $0xA;
	s2 =	sadd.s32 s3, s2  }
0x8d: {  	s2 =	sadd.s32 s2, s17  }
0x8e: {  	[smem:$0x3FC0] =	sst s2  }
0x8f: {  	_ = 	snop  }
0x90: {  	s2 =	sld [smem:$0x3FD0];
	(tm) =	ssettm $0x1  }
0x91: {  	s18 =	sld [smem:$0x3FFB];
	_ =	sdelay $0x3  }
0x92: {  	_ =	strace s18  }
0x93: {  	s3 =	sld [smem:$0x3FFC];
	_ =	sdelay $0x3  }
0x94: {  	_ =	strace s3  }
0x95: {  	s3 =	sld [smem:$0x3FFD];
	_ =	sdelay $0x3  }
0x96: {  	_ =	strace s3  }
0x97: {  	_ =	strace $0x8FFFFFFF  }
0x98: {  	s19 =	sld [smem:$0x3FDB];
	_ =	sdelay $0x1  }
0x99: {  	s4 =	simm.s32 $_scs_section_size  }
0x9a: {  	s5 =	simm.s32 $_size__tile_overlayer_lowered;
	s6 =	simm.s32 $_tile_overlayer_lowered  }
0x9b: {  	s22 =	simm.s32 $0x1BFF;
	s21 =	sshll.u32 s6, $0x1;
	s3 =	sadd.s32 s4, s19  }
0x9c: {  	s7 =	simm.s32 $0x0;
	s20 =	sshll.u32 s5, $0x1;
	s5 =	sadd.s32 s21, s3  }
0x9d: {  	[timem:s7], [sflag:s22] =	dma.local [hbm:s5], s20  }
0x9e: {  	_ =	swait.ge [sflag:s22], s20  }
0x9f: {  	s4 =	ssub.s32 $0x0, s20;
	[sflag:s22] =	ssyncset.done $0x0  }
0xa0: {  	[sflag:s22] =	ssyncadd.s32 s4;
	_ =	sdelay $0x1  }
0xa1: {  	s23 =	simm.s32 $0x1B8B  }
0xa2: {  	_ =	swait.ge [sflag:s23], $0x1  }
0xa3: {  	[sflag:s23] =	ssyncset.done $0x0  }
0xa4: {  	s25 =	simm.s32 $0x1B8E;
	s24 =	sld [smem:$0x3FFE];
	[sflag:s23] =	ssyncadd.s32 $0xFFFFFFFF  }
0xa5: {  	s26 =	simm.s32 $execute0_lowered;
	[smem:$0x3FD2] =	sst s25  }
0xa6: {  	s5 =	sshll.u32 s26, $0x1;
	_ =	strace $0x80000046;
	[dreg:$0x1] =	wrdreg $0xFFFFFFFF  }
0xa7: {  	s28 =	simm.s32 $_size_execute0_lowered;
	s3 =	sadd.s32 s3, s5;
	[dreg:$0x0] =	wrdreg $0x0  }
0xa8: {  	s5 =	sshll.u32 s28, $0x1;
	[dreg:$0x2] =	wrdreg s3  }
0xa9: {  	[dreg:$0x3] =	wrdreg s5  }
0xaa: {  	[dreg:$0x4] =	wrdreg $0xC0  }
0xab: {  	_ =	task [dreg:s7], $0x5FFFF  }
0xac: {  	[dreg:$0x1] =	wrdreg $0xFFFFFFFF  }
0xad: {  	[dreg:$0x0] =	wrdreg $0x60  }
0xae: {  	[dreg:$0x2] =	wrdreg s24  }
0xaf: {  	[dreg:$0x3] =	wrdreg s2  }
0xb0: {  	[dreg:$0x4] =	wrdreg $0x68000  }
0xb1: {  	[dreg:$0x5] =	wrdreg $0x9  }
0xb2: {  	_ =	task.clear_ibuf [dreg:s7], $0x6FFFF;
	_ =	strace $0x90000046  }
0xb3: {  	s29 =	simm.s32 $0x9;
	_ =	strace $0x80000048  }
0xb4: {  	_ =	swait.ge [sflag:s29], $0x1  }
0xb5: {  	[sflag:s29] =	ssyncadd.s32 $0xFFFFFFFF  }
0xb6: {  	_ =	strace $0x90000048  }
0xb7: {  	_ =	sfence  }
0xb8: {  	s30 =	sld [smem:$0x0];
	_ =	sdelay $0x2  }
0xb9: {  	s31 =	sshll.u32 s1, $0xD;
	s1 =	sshrl.u32 s1, $0x2  }
0xba: {  	s3 =	sand.u32 $0x4000, s31;
	s1 =	sadd.s32 s1, s30  }
0xbb: {  	s0 =	sor.u32 s3, s0;
	s1 =	sshll.u32 s1, $0x11  }
0xbc: {  	s0 =	sor.u32 s1, s0  }
0xbd: {  	s0 =	sadd.s32 $0x8F2B, s0  }
0xbe: {  	[sflag:s0] =	ssyncadd.remote.s32 $0x1  }
0xbf: {  	_ =	sfence.sel $0xFFFF  }
0xc0: {  	[dreg:$0x0] =	wrdreg $0xFFFFFFFF;
	(pc) =	sbr.abs _section_cstart, $3  }
0xc1: {  	[dreg:$0x1] =	wrdreg $0xFFFFFFFF  }
0xc2: {  	_ =	task.clear_ibuf [dreg:s7], $0x2FFFF;
	_ =	strace $0x9FFFFFFF  }
0xc3: {  	(tm) =	ssettm $0x7FFFFFFF  }
tec
execute0_lowered:
.L_overlay_start_1:
0x0: {  	(tag) =	ssettag $0x1  }
0x1: {  	s6 =	rddreg [dreg:$0x0]  }
0x2: {  	s2 =	rddreg [dreg:$0x1]  }
0x3: {  	s1 =	srdreg.scid;
	s0 =	stileid.u32  }
0x4: {  	s3 =	rddreg [dreg:$0x2];
	s4 =	simm.s32 $0x0;
	s17 =	simm.s32 $0x0  }
0x5: {  	s7 =	sand.u32 $0x1, s1;
	s1 =	rddreg [dreg:$0x3];
	s9 =	smul.u32 $0x50000, s0  }
0x6: {  	s5 =	sshll.u32 s0, $0x1;
	[smem:$0x7FF] =	sst s4;
	s12 =	smul.u32 $0x13800, s0  }
0x7: {  	s10 =	sadd.s32 $0x10C00, s6;
	s25 =	sshll.u32 s0, $0x6;
	s28 =	smul.u32 $0x4E000, s0  }
0x8: {  	s16 =	sadd.s32 $0x138000, s3;
	p0 =	sne.s32 s0, $0xF;
	s5 =	sor.u32 s7, s5  }
0x9: {  	_ =	strace $0x80000047;
	s23 =	ssub.s32 $0x2, s7;
	s11 =	smul.u32 $0x138800, s7  }
0xa: {  	s16 =	sshrl.u32 @!p0 s16, $0x3;
	s5 =	smul.u32 $0x500, s5;
	s24 =	sshrl.u32 s23, $0x1  }
0xb: {  	s9 =	sshrl.u32 s9, $0x2;
	s31 =	sshrl.u32 s28, $0x2;
	s13 =	ssub.s32 s23, s24  }
0xc: {  	s14 =	sadd.s32 s9, s3;
	s26 =	sadd.s32 s12, s11;
	s30 =	sshrl.u32 s11, $0x3  }
0xd: {  	s15 =	sadd.s32 s31, s3;
	s12 =	simm.s32 $0x1;
	s8 =	sadd.s32 s5, s6  }
0xe: {  	s5 =	sadd.s32 $0xE400, s6;
	s6 =	sor.u32 $0x1C01, s25;
	s29 =	sshrl.u32 s26, $0x3  }
0xf: {  	s9 =	sadd.s32 s10, s30;
	s11 =	sshrl.u32 s14, $0x3;
	s14 =	simm.s32 $0x80  }
0x10: {  	s15 =	sshrl.u32 s15, $0x3;
	s7 =	sadd.s32 $0x4400, s8;
	s8 =	sadd.s32 s10, s29  }
0x11: {  	s9 =	sadd.s32 $0x27000, s9;
	s10 =	smax.u32 s13, $0x1;
	s13 =	simm.s32 $0x2800  }
.LBB2_1:
0x12: {  	[spmem:s11], [sflag:s6] =	dma.local [hbm:s5], $0x2800  }
0x13: {  	_ =	swait.ge [sflag:s12], $0x2800  }
0x14: {  	[sflag:s12] =	ssyncset.done $0x0  }
0x15: {  	[sflag:s12] =	ssyncadd.s32 $0xFFFFD800  }
0x16: {  	[tilespmem:s13], [sflag:$0x1] =	stream.linear.gather [hbm4b:s2+s4], $0x4000, $0x38;
	[tilespmem:$0x1A800] =	vst v63  }
0x17: {  	_ =	swait.ge [sflag:s12], $0x4000  }
0x18: {  	[sflag:s12] =	ssyncset.done $0x0  }
0x19: {  	[sflag:s12] =	ssyncadd.s32 $0xFFFFC000  }
0x1a: {  	[tilespmem:s4], [sflag:$0x1] =	stream.linear.gather [hbm4b:s7+s4], $0x2780, $0x38;
	[tilespmem:$0x1A800] =	vst v63  }
0x1b: {  	_ =	swait.ge [sflag:s12], $0x2780  }
0x1c: {  	[sflag:s12] =	ssyncset.done $0x0  }
0x1d: {  	[sflag:s12] =	ssyncadd.s32 $0xFFFFD880  }
0x1e: {  	s18 =	simm.s32 $0x0;
	[bflag:$0x0] =	sbarrier.arrive $0xFFFF  }
0x1f: {  	[spmem:s3] =	stream.indirect.scatter.add.f32 [tilespmem:s13], [sflag:$0x1], $0x80, s18, s14, $0xb8;
	[tilespmem:$0x1A800] =	vst v63  }
0x20: {  	_ =	swait.ge [sflag:s12], $0x4000  }
0x21: {  	s18 =	simm.s32 $0x200;
	[sflag:s12] =	ssyncset.done $0x0  }
.LBB2_2:
0x22: {  	s19 =	sshra.s32 s18, $0x2;
	[sflag:s12] =	ssyncadd.s32 $0xFFFFC000;
	p1 =	sne.s32 s18, $0x9C00  }
0x23: {  	[spmem:s3] =	stream.indirect.scatter.add.f32 [tilespmem:s13], [sflag:$0x1], $0x80, s19, s14, $0xb8;
	[tilespmem:$0x1A800] =	vst v63  }
.Ltmp0:
0x24: {  	_ = 	snop;
	(pc) =	sbr.rel @p1 .LBB2_2-.Ltmp0, $4  }
0x25: {  	_ = 	snop  }
0x26: {  	s18 =	sadd.s32 $0x200, s18  }
0x27: {  	_ =	swait.ge [sflag:s12], $0x4000  }
0x28: {  	[sflag:s12] =	ssyncset.done $0x0  }
0x29: {  	[sflag:s12] =	ssyncadd.s32 $0xFFFFC000  }
0x2a: {  	[bflag:$0x0] =	sbarrier.arrive $0xFFFF  }
0x2b: {  	[hbm:s8], [sflag:s6] =	dma.local [spmem:s15], $0x2700  }
0x2c: {  	s17 =	sadd.s32 $0x1, s17;
	_ =	swait.ge [sflag:s12], $0x2700  }
0x2d: {  	p1 =	sne.s32 s17, s10;
	[sflag:s12] =	ssyncset.done $0x0  }
.Ltmp1:
0x2e: {  	s18 =	simm.s32 @!p0 $0x1;
	[sflag:s12] =	ssyncadd.s32 $0xFFFFD900;
	(pc) =	sbr.rel @p1 .LBB2_1-.Ltmp1, $4  }
0x2f: {  	[hbm:s9], [sflag:s6] =	dma.local @!p0 [spmem:s16], $0x100  }
0x30: {  	_ =	swait.ge @!p0 [sflag:s18], $0x100  }
0x31: {  	[sflag:s18] =	ssyncset.done @!p0 $0x0  }
0x32: {  	[sflag:s18] =	ssyncadd.s32 @!p0 $0xFFFFFF00  }
0x33: {  	_ =	sfence.sel $0x180000  }
0x34: {  	[bflag:$0x0] =	sbarrier.arrive $0xFFFF  }
0x35: {  	p0 =	sne.s32 s0, $0x0;
	_ =	strace $0x90000047  }
0x36: {  	s0 =	sadd.s32 @!p0 $0x100000, s1;
	[bflag:$0x2] =	sbarrier.arrive $0xFFFF  }
0x37: {  	[sflag:s0] =	ssyncadd.tile.s32 @!p0 $0x1;
	_ =	shalt  }
.Lfunc_end2:
_tile_overlayer_lowered:
.L_overlay_start_2:
0x38: {  	(tag) =	ssettag $0x2  }
0x39: {  	s0 =	rddreg [dreg:$0x0];
	s2 =	stileid.u32  }
0x3a: {  	s1 =	rddreg [dreg:$0x1];
	p0 =	sne.s32 s2, $0x0  }
0x3b: {  	s3 =	rddreg [dreg:$0x2];
	[bflag:$0x3] =	sbarrier.arrive $0xFFFF;
	s2 =	simm.s32 @!p0 $0x1C01  }
0x3c: {  	[timem:s3], [sflag:s2] =	dma.local @!p0 [hbm:s0], s1  }
0x3d: {  	s0 =	simm.s32 @!p0 $0x1  }
0x3e: {  	_ =	swait.ge @!p0 [sflag:s0], s1  }
0x3f: {  	s1 =	ssub.s32 @!p0 $0x0, s1;
	[sflag:s0] =	ssyncset.done @!p0 $0x0  }
0x40: {  	[sflag:s0] =	ssyncadd.s32 @!p0 s1  }
0x41: {  	[bflag:$0x3] =	sbarrier.arrive $0xFFFF  }
0x42: {  	_ =	shalt  }

// kernel: kernel.13.cloned.1.call-start
scs
__scs_entry_jumppad:
0x0: {  	(pc) =	sbr.rel $0x88, $3  }
0x1: {  	(tag) =	ssettag $0x0;
	lr =	simm.s32 $0x1  }
0x2: {  	[smem:$0x3F99] =	sst lr;
	_ =	strace $0xD0000000  }
0x3: {  	_ = 	snop  }
0x4: {  	_ = 	snop  }
0x5: {  	_ = 	snop  }
0x6: {  	_ = 	snop  }
0x7: {  	_ = 	snop  }
__scs_overlays_trampoline_lowered:
0x8: {  	[smem:$0x3FA8] =	sst s0  }
0x9: {  	[smem:$0x3FA9] =	sst s1  }
0xa: {  	[smem:$0x3FAA] =	sst s2  }
0xb: {  	[smem:$0x3FAB] =	sst s3  }
0xc: {  	[smem:$0x3FAC] =	sst s4  }
0xd: {  	[smem:$0x3FAD] =	sst s5  }
0xe: {  	[smem:$0x3FAE] =	sst s6  }
0xf: {  	[smem:$0x3FAF] =	sst s7  }
0x10: {  	[smem:$0x3FB0] =	sst s8  }
0x11: {  	[smem:$0x3FB1] =	sst s9;
	s0 =	simm.s32 @!p0 $0x0  }
0x12: {  	s1 =	sld [smem:$0x3F97];
	s0 =	simm.s32 @p0 $0x1  }
0x13: {  	[smem:$0x3FB2] =	sst s0;
	s0 =	simm.s32 @!p1 $0x0  }
0x14: {  	s2 =	sld [smem:$0x3F96];
	s0 =	simm.s32 @p1 $0x1  }
0x15: {  	[smem:$0x3FB3] =	sst s0;
	s0 =	simm.s32 @!p2 $0x0  }
0x16: {  	s3 =	sld [smem:$0x3FDB];
	s0 =	simm.s32 @p2 $0x1  }
0x17: {  	s4 =	simm.s32 $0x1BF5;
	[smem:$0x3FB5] =	sst s0  }
0x18: {  	s0 =	sld [smem:$0x3F98];
	_ =	swait.ge [sflag:s4], $0x0  }
0x19: {  	s7 =	sld [smem:$0x3F99]  }
0x1a: {  	s8 =	sadd.s32 $0xFFFFE003, lr  }
0x1b: {  	s9 =	sadd.s32 $0xFFFFFEF7, lr;
	s5 =	simm.s32 $0xFFFFFFFF;
	p2 =	slt.u32 s8, $0xFFFFF086  }
0x1c: {  	p1 =	slt.u32 s9, $0xF7A;
	s5 =	simm.s32 @!p2 $0x0  }
0x1d: {  	s5 =	simm.s32 @p1 $0x1;
	p0 =	seq.s32 s7, s2  }
0x1e: {  	s7 =	smul.u32 @!p0 $0xF7A, s2;
	p2 =	seq.s32 @!p0 s5, $0x0  }
0x1f: {  	s9 =	smul.u32 $0xF7A, s1;
	s8 =	simm.s32 @!p0 $0x1BF5;
	p2 =	por !p2, p0  }
0x20: {  	[sflag:s8] =	ssyncset.s32 @!p0 $0xFFFFF086;
	s6 =	sadd.s32 @!p0 s3, s7;
	s7 =	simm.s32 @!p0 $0x108  }
0x21: {  	s3 =	sadd.s32 s3, s9;
	s6 =	sadd.s32 @!p0 $0x88, s6;
	s7 =	simm.s32 @p2 $0x1082  }
0x22: {  	[simem:s7], [sflag:s8] =	dma.local @!p0 [hbm:s6], $0xF7A  }
0x23: {  	s9 =	sor.u32 $0xD0000000, s2;
	s6 =	simm.s32 $0x108;
	_ =	swait.ge @!p0 [sflag:s8], $0x0  }
0x24: {  	s3 =	sadd.s32 $0x88, s3;
	s6 =	simm.s32 @!p1 $0x1082;
	[sflag:s4] =	ssyncset.s32 $0xFFFFF086  }
0x25: {  	[simem:s6], [sflag:s4] =	dma.local [hbm:s3], $0xF7A  }
0x26: {  	[smem:$0x3F99] =	sst s1;
	(tag) =	ssettag s2;
	_ =	strace s9  }
0x27: {  	s1 =	sld [smem:$0x3FA9]  }
0x28: {  	s2 =	sld [smem:$0x3FAA]  }
0x29: {  	s4 =	sld [smem:$0x3FAC]  }
0x2a: {  	p0 =	seq.s32 s5, $0x0;
	s5 =	sld [smem:$0x3FAD]  }
0x2b: {  	s6 =	sld [smem:$0x3FAE]  }
0x2c: {  	s7 =	sld [smem:$0x3FAF]  }
0x2d: {  	s3 =	simm.s32 $0x108;
	s8 =	sld [smem:$0x3FB0]  }
0x2e: {  	s3 =	simm.s32 @!p0 $0x1082;
	s9 =	sld [smem:$0x3FB1]  }
0x2f: {  	lr =	sadd.s32 s0, s3;
	s0 =	sld [smem:$0x3FA8]  }
0x30: {  	s3 =	sld [smem:$0x3FAB]  }
0x31: {  	[smem:$0x3FB4] =	sst s10  }
0x32: {  	s10 =	sld [smem:$0x3FB2];
	_ =	sdelay $0x3  }
0x33: {  	p0 =	seq.s32 s10, $0x1;
	s10 =	sld [smem:$0x3FB4];
	_ =	sdelay $0x3  }
0x34: {  	[smem:$0x3FB4] =	sst s10  }
0x35: {  	s10 =	sld [smem:$0x3FB3];
	_ =	sdelay $0x3  }
0x36: {  	p1 =	seq.s32 s10, $0x1;
	s10 =	sld [smem:$0x3FB4];
	_ =	sdelay $0x3  }
0x37: {  	[smem:$0x3FB4] =	sst s10  }
0x38: {  	s10 =	sld [smem:$0x3FB5]  }
0x39: {  	_ = 	snop;
	(pc) =	sbr.ind lr, $3  }
0x3a: {  	_ = 	snop  }
0x3b: {  	_ = 	snop  }
0x3c: {  	p2 =	seq.s32 s10, $0x1;
	s10 =	sld [smem:$0x3FB4]  }
0x3d: {  	_ =	shalt  }
0x3e: {  	_ =	shalt  }
0x3f: {  	_ =	shalt  }
0x40: {  	_ =	shalt  }
0x41: {  	_ =	shalt  }
0x42: {  	_ =	shalt  }
0x43: {  	_ =	shalt  }
0x44: {  	_ =	shalt  }
0x45: {  	_ =	shalt  }
0x46: {  	_ =	shalt  }
0x47: {  	_ =	shalt  }
0x48: {  	_ =	shalt  }
0x49: {  	_ =	shalt  }
0x4a: {  	_ =	shalt  }
0x4b: {  	_ =	shalt  }
0x4c: {  	_ =	shalt  }
0x4d: {  	_ =	shalt  }
0x4e: {  	_ =	shalt  }
0x4f: {  	_ =	shalt  }
0x50: {  	_ =	shalt  }
0x51: {  	_ =	shalt  }
0x52: {  	_ =	shalt  }
0x53: {  	_ =	shalt  }
0x54: {  	_ =	shalt  }
0x55: {  	_ =	shalt  }
0x56: {  	_ =	shalt  }
0x57: {  	_ =	shalt  }
0x58: {  	_ =	shalt  }
0x59: {  	_ =	shalt  }
0x5a: {  	_ =	shalt  }
0x5b: {  	_ =	shalt  }
0x5c: {  	_ =	shalt  }
0x5d: {  	_ =	shalt  }
0x5e: {  	_ =	shalt  }
0x5f: {  	_ =	shalt  }
0x60: {  	_ =	shalt  }
0x61: {  	_ =	shalt  }
0x62: {  	_ =	shalt  }
0x63: {  	_ =	shalt  }
0x64: {  	_ =	shalt  }
0x65: {  	_ =	shalt  }
0x66: {  	_ =	shalt  }
0x67: {  	_ =	shalt  }
0x68: {  	_ =	shalt  }
0x69: {  	_ =	shalt  }
0x6a: {  	_ =	shalt  }
0x6b: {  	_ =	shalt  }
0x6c: {  	_ =	shalt  }
0x6d: {  	_ =	shalt  }
0x6e: {  	_ =	shalt  }
0x6f: {  	_ =	shalt  }
0x70: {  	_ =	shalt  }
0x71: {  	_ =	shalt  }
0x72: {  	_ =	shalt  }
0x73: {  	_ =	shalt  }
0x74: {  	_ =	shalt  }
0x75: {  	_ =	shalt  }
0x76: {  	_ =	shalt  }
0x77: {  	_ =	shalt  }
0x78: {  	_ =	shalt  }
0x79: {  	_ =	shalt  }
0x7a: {  	_ =	shalt  }
0x7b: {  	_ =	shalt  }
0x7c: {  	_ =	shalt  }
0x7d: {  	_ =	shalt  }
0x7e: {  	_ =	shalt  }
0x7f: {  	_ =	shalt  }
0x80: {  	_ =	shalt  }
0x81: {  	_ =	shalt  }
0x82: {  	_ =	shalt  }
0x83: {  	_ =	shalt  }
0x84: {  	_ =	shalt  }
0x85: {  	_ =	shalt  }
0x86: {  	_ =	shalt  }
0x87: {  	_ =	shalt  }
.Lfunc_end0:
.L_simem_size_0:
called_computation.1_lowered:
.L_overlay_start_0:
0x88: {  	s2 =	sld [smem:$0x3FD9]  }
0x89: {  	s3 =	sld [smem:$0x3FFE];
	_ =	sdelay $0x1  }
0x8a: {  	s1 =	srdreg.scid  }
0x8b: {  	s0 =	sand.u32 $0x1, s1  }
0x8c: {  	s17 =	sshll.u32 s0, $0xA;
	s2 =	sadd.s32 s3, s2  }
0x8d: {  	s2 =	sadd.s32 s2, s17  }
0x8e: {  	[smem:$0x3FC0] =	sst s2  }
0x8f: {  	_ = 	snop  }
0x90: {  	s2 =	sld [smem:$0x3FD0];
	(tm) =	ssettm $0x1  }
0x91: {  	s18 =	sld [smem:$0x3FFB];
	_ =	sdelay $0x3  }
0x92: {  	_ =	strace s18  }
0x93: {  	s3 =	sld [smem:$0x3FFC];
	_ =	sdelay $0x3  }
0x94: {  	_ =	strace s3  }
0x95: {  	s3 =	sld [smem:$0x3FFD];
	_ =	sdelay $0x3  }
0x96: {  	_ =	strace s3  }
0x97: {  	_ =	strace $0x8FFFFFFF  }
0x98: {  	s19 =	sld [smem:$0x3FDB];
	_ =	sdelay $0x1  }
0x99: {  	s4 =	simm.s32 $_scs_section_size  }
0x9a: {  	s5 =	simm.s32 $_size__tile_overlayer_lowered;
	s6 =	simm.s32 $_tile_overlayer_lowered  }
0x9b: {  	s22 =	simm.s32 $0x1BFF;
	s21 =	sshll.u32 s6, $0x1;
	s3 =	sadd.s32 s4, s19  }
0x9c: {  	s7 =	simm.s32 $0x0;
	s20 =	sshll.u32 s5, $0x1;
	s5 =	sadd.s32 s21, s3  }
0x9d: {  	[timem:s7], [sflag:s22] =	dma.local [hbm:s5], s20  }
0x9e: {  	_ =	swait.ge [sflag:s22], s20  }
0x9f: {  	s4 =	ssub.s32 $0x0, s20;
	[sflag:s22] =	ssyncset.done $0x0  }
0xa0: {  	[sflag:s22] =	ssyncadd.s32 s4;
	_ =	sdelay $0x1  }
0xa1: {  	s23 =	simm.s32 $0x1B8B  }
0xa2: {  	_ =	swait.ge [sflag:s23], $0x1  }
0xa3: {  	[sflag:s23] =	ssyncset.done $0x0  }
0xa4: {  	s25 =	simm.s32 $0x1B8E;
	s24 =	sld [smem:$0x3FFE];
	[sflag:s23] =	ssyncadd.s32 $0xFFFFFFFF  }
0xa5: {  	s26 =	simm.s32 $execute0_lowered;
	[smem:$0x3FD2] =	sst s25  }
0xa6: {  	s5 =	sshll.u32 s26, $0x1;
	_ =	strace $0x80000049;
	[dreg:$0x1] =	wrdreg $0xFFFFFFFF  }
0xa7: {  	s28 =	simm.s32 $_size_execute0_lowered;
	s3 =	sadd.s32 s3, s5;
	[dreg:$0x0] =	wrdreg $0x0  }
0xa8: {  	s5 =	sshll.u32 s28, $0x1;
	[dreg:$0x2] =	wrdreg s3  }
0xa9: {  	[dreg:$0x3] =	wrdreg s5  }
0xaa: {  	[dreg:$0x4] =	wrdreg $0xC0  }
0xab: {  	_ =	task [dreg:s7], $0x5FFFF  }
0xac: {  	[dreg:$0x1] =	wrdreg $0xFFFFFFFF  }
0xad: {  	[dreg:$0x0] =	wrdreg $0x60  }
0xae: {  	[dreg:$0x2] =	wrdreg s2  }
0xaf: {  	[dreg:$0x3] =	wrdreg s24  }
0xb0: {  	[dreg:$0x4] =	wrdreg $0x90000  }
0xb1: {  	[dreg:$0x5] =	wrdreg $0x9  }
0xb2: {  	_ =	task.clear_ibuf [dreg:s7], $0x6FFFF;
	_ =	strace $0x90000049  }
0xb3: {  	s29 =	simm.s32 $0x9;
	_ =	strace $0x8000004B  }
0xb4: {  	_ =	swait.ge [sflag:s29], $0x1  }
0xb5: {  	[sflag:s29] =	ssyncadd.s32 $0xFFFFFFFF  }
0xb6: {  	_ =	strace $0x9000004B  }
0xb7: {  	_ =	sfence  }
0xb8: {  	s30 =	sld [smem:$0x0];
	_ =	sdelay $0x2  }
0xb9: {  	s31 =	sshll.u32 s1, $0xD;
	s1 =	sshrl.u32 s1, $0x2  }
0xba: {  	s3 =	sand.u32 $0x4000, s31;
	s1 =	sadd.s32 s1, s30  }
0xbb: {  	s0 =	sor.u32 s3, s0;
	s1 =	sshll.u32 s1, $0x11  }
0xbc: {  	s0 =	sor.u32 s1, s0  }
0xbd: {  	s0 =	sadd.s32 $0x8F2B, s0  }
0xbe: {  	[sflag:s0] =	ssyncadd.remote.s32 $0x1  }
0xbf: {  	_ =	sfence.sel $0xFFFF  }
0xc0: {  	[dreg:$0x0] =	wrdreg $0xFFFFFFFF;
	(pc) =	sbr.abs _section_cstart, $3  }
0xc1: {  	[dreg:$0x1] =	wrdreg $0xFFFFFFFF  }
0xc2: {  	_ =	task.clear_ibuf [dreg:s7], $0x2FFFF;
	_ =	strace $0x9FFFFFFF  }
0xc3: {  	(tm) =	ssettm $0x7FFFFFFF  }
tec
execute0_lowered:
.L_overlay_start_1:
0x0: {  	(tag) =	ssettag $0x1  }
0x1: {  	s1 =	rddreg [dreg:$0x0]  }
0x2: {  	s6 =	rddreg [dreg:$0x1]  }
0x3: {  	s2 =	srdreg.scid;
	s0 =	stileid.u32  }
0x4: {  	s3 =	rddreg [dreg:$0x2];
	s4 =	simm.s32 $0x0;
	s16 =	simm.s32 $0x5000  }
0x5: {  	s17 =	simm.s32 $0x1;
	s20 =	simm.s32 $0x0;
	s7 =	sand.u32 $0x1, s2  }
0x6: {  	s5 =	sshll.u32 s0, $0x1;
	s2 =	rddreg [dreg:$0x3];
	s10 =	smul.u32 $0x50000, s0  }
0x7: {  	[smem:$0x7FF] =	sst s4;
	s11 =	sadd.s32 $0x68E00, s6;
	s31 =	smul.u32 $0x13800, s0  }
0x8: {  	s30 =	sshll.u32 s0, $0x6;
	s14 =	smul.u32 $0x4E000, s0;
	s19 =	sadd.s32 $0x138000, s3  }
0x9: {  	p0 =	sne.s32 s0, $0xF;
	s5 =	sor.u32 s7, s5;
	_ =	strace $0x8000004A  }
0xa: {  	s9 =	ssub.s32 $0x2, s7;
	s29 =	smul.u32 $0x138800, s7;
	s19 =	sshrl.u32 @!p0 s19, $0x3  }
0xb: {  	s5 =	smul.u32 $0x500, s5;
	s26 =	sshrl.u32 s9, $0x1;
	s28 =	sshrl.u32 s10, $0x2  }
0xc: {  	s14 =	sshrl.u32 s14, $0x2;
	s12 =	ssub.s32 s9, s26;
	s13 =	sadd.s32 s28, s3  }
0xd: {  	s10 =	sadd.s32 s31, s29;
	s9 =	sshrl.u32 s29, $0x3;
	s18 =	sadd.s32 s14, s3  }
0xe: {  	s14 =	simm.s32 $0x2800;
	s8 =	sadd.s32 s5, s6;
	s5 =	sadd.s32 $0xE400, s6  }
0xf: {  	s6 =	sor.u32 $0x1C02, s30;
	s10 =	sshrl.u32 s10, $0x3;
	s15 =	sadd.s32 s11, s9  }
0x10: {  	s18 =	sshrl.u32 s18, $0x3;
	s7 =	sadd.s32 $0x5EE00, s8;
	s8 =	sadd.s32 $0x4400, s8  }
0x11: {  	s9 =	sadd.s32 s11, s10;
	s10 =	sadd.s32 $0x27000, s15;
	s11 =	smax.u32 s12, $0x1  }
0x12: {  	s12 =	sshrl.u32 s13, $0x3;
	s13 =	simm.s32 $0x2;
	s15 =	simm.s32 $0x80  }
.LBB2_1:
0x13: {  	[spmem:s12], [sflag:s6] =	dma.local [hbm:s5], $0x2800  }
0x14: {  	_ =	swait.ge [sflag:s13], $0x2800  }
0x15: {  	[sflag:s13] =	ssyncset.done $0x0  }
0x16: {  	[sflag:s13] =	ssyncadd.s32 $0xFFFFD800  }
0x17: {  	[tilespmem:s4], [sflag:$0x2] =	stream.linear.gather [hbm4b:s7+s4], $0x2780, $0x38;
	[tilespmem:$0x1D000] =	vst v63  }
0x18: {  	_ =	swait.ge [sflag:s13], $0x2780  }
0x19: {  	[sflag:s13] =	ssyncset.done $0x0  }
0x1a: {  	[sflag:s13] =	ssyncadd.s32 $0xFFFFD880  }
0x1b: {  	[tilespmem:s14], [sflag:$0x2] =	stream.linear.gather [hbm4b:s8+s4], $0x2780, $0x38;
	[tilespmem:$0x1D000] =	vst v63  }
0x1c: {  	_ =	swait.ge [sflag:s13], $0x2780  }
0x1d: {  	[sflag:s13] =	ssyncset.done $0x0  }
0x1e: {  	[sflag:s13] =	ssyncadd.s32 $0xFFFFD880  }
0x1f: {  	s21 =	simm.s32 $0x0;
	[bflag:$0x0] =	sbarrier.arrive $0xFFFF  }
0x20: {  	[tilespmem:s16], [sflag:$0x1] =	stream.indirect.gather [hbm4b:s1+s15], $0x80, s21, s15, $0xb8;
	[tilespmem:$0x1D000] =	vst v63  }
0x21: {  	_ =	swait.ge [sflag:s17], $0x4000  }
0x22: {  	[sflag:s17] =	ssyncset.done $0x0  }
0x23: {  	s31 =	simm.s32 $0x2800;
	[sflag:s17] =	ssyncadd.s32 $0xFFFFC000  }
0x24: {  	[spmem:s3] =	stream.indirect.scatter.add.f32 [tilespmem:s16], [sflag:$0x2], $0x80, s31, s15, $0xb8;
	[tilespmem:$0x1D000] =	vst v63  }
0x25: {  	_ =	swait.ge [sflag:s13], $0x4000  }
0x26: {  	s22 =	simm.s32 $0x400;
	s21 =	simm.s32 $0x200;
	[sflag:s13] =	ssyncset.done $0x0  }
.LBB2_2:
0x27: {  	s23 =	sshra.s32 s21, $0x2  }
0x28: {  	[sflag:s13] =	ssyncadd.s32 $0xFFFFC000;
	s21 =	smov.u32 s22;
	s24 =	sadd.s32 $0x200, s22  }
0x29: {  	[tilespmem:s16], [sflag:$0x1] =	stream.indirect.gather [hbm4b:s1+s15], $0x80, s23, s15, $0xb8;
	[tilespmem:$0x1D000] =	vst v63  }
0x2a: {  	p1 =	sne.s32 s22, $0x9C00;
	_ =	swait.ge [sflag:s17], $0x4000  }
.Ltmp0:
0x2b: {  	[sflag:s17] =	ssyncset.done $0x0;
	(pc) =	sbr.rel @p1 .LBB2_2-.Ltmp0, $4  }
0x2c: {  	s22 =	sadd.s32 $0x2800, s23;
	[sflag:s17] =	ssyncadd.s32 $0xFFFFC000  }
0x2d: {  	[spmem:s3] =	stream.indirect.scatter.add.f32 [tilespmem:s16], [sflag:$0x2], $0x80, s22, s15, $0xb8;
	[tilespmem:$0x1D000] =	vst v63  }
0x2e: {  	_ =	swait.ge [sflag:s13], $0x4000  }
0x2f: {  	s22 =	smov.u32 s24;
	[sflag:s13] =	ssyncset.done $0x0  }
0x30: {  	s21 =	sshra.s32 s21, $0x2;
	[sflag:s13] =	ssyncadd.s32 $0xFFFFC000  }
0x31: {  	[tilespmem:s16], [sflag:$0x1] =	stream.indirect.gather [hbm4b:s1+s15], $0x80, s21, s15, $0xb8;
	[tilespmem:$0x1D000] =	vst v63  }
0x32: {  	_ =	swait.ge [sflag:s17], $0x4000  }
0x33: {  	[sflag:s17] =	ssyncset.done $0x0  }
0x34: {  	s21 =	sadd.s32 $0x2800, s21;
	[sflag:s17] =	ssyncadd.s32 $0xFFFFC000  }
0x35: {  	[spmem:s3] =	stream.indirect.scatter.add.f32 [tilespmem:s16], [sflag:$0x2], $0x80, s21, s15, $0xb8;
	[tilespmem:$0x1D000] =	vst v63  }
0x36: {  	_ =	swait.ge [sflag:s13], $0x4000  }
0x37: {  	[sflag:s13] =	ssyncset.done $0x0  }
0x38: {  	[sflag:s13] =	ssyncadd.s32 $0xFFFFC000  }
0x39: {  	[bflag:$0x0] =	sbarrier.arrive $0xFFFF  }
0x3a: {  	[hbm:s9], [sflag:s6] =	dma.local [spmem:s18], $0x2700  }
0x3b: {  	s20 =	sadd.s32 $0x1, s20;
	_ =	swait.ge [sflag:s13], $0x2700  }
0x3c: {  	p1 =	sne.s32 s20, s11;
	[sflag:s13] =	ssyncset.done $0x0  }
.Ltmp1:
0x3d: {  	s21 =	simm.s32 @!p0 $0x2;
	[sflag:s13] =	ssyncadd.s32 $0xFFFFD900;
	(pc) =	sbr.rel @p1 .LBB2_1-.Ltmp1, $4  }
0x3e: {  	[hbm:s10], [sflag:s6] =	dma.local @!p0 [spmem:s19], $0x100  }
0x3f: {  	_ =	swait.ge @!p0 [sflag:s21], $0x100  }
0x40: {  	[sflag:s21] =	ssyncset.done @!p0 $0x0  }
0x41: {  	[sflag:s21] =	ssyncadd.s32 @!p0 $0xFFFFFF00  }
0x42: {  	_ =	sfence.sel $0x180000  }
0x43: {  	[bflag:$0x0] =	sbarrier.arrive $0xFFFF  }
0x44: {  	p0 =	sne.s32 s0, $0x0;
	_ =	strace $0x9000004A  }
0x45: {  	s0 =	sadd.s32 @!p0 $0x100000, s2;
	[bflag:$0x2] =	sbarrier.arrive $0xFFFF  }
0x46: {  	[sflag:s0] =	ssyncadd.tile.s32 @!p0 $0x1;
	_ =	shalt  }
.Lfunc_end2:
_tile_overlayer_lowered:
.L_overlay_start_2:
0x47: {  	(tag) =	ssettag $0x2  }
0x48: {  	s0 =	rddreg [dreg:$0x0];
	s2 =	stileid.u32  }
0x49: {  	s1 =	rddreg [dreg:$0x1];
	p0 =	sne.s32 s2, $0x0  }
0x4a: {  	s3 =	rddreg [dreg:$0x2];
	[bflag:$0x3] =	sbarrier.arrive $0xFFFF;
	s2 =	simm.s32 @!p0 $0x1C02  }
0x4b: {  	[timem:s3], [sflag:s2] =	dma.local @!p0 [hbm:s0], s1  }
0x4c: {  	s0 =	simm.s32 @!p0 $0x2  }
0x4d: {  	_ =	swait.ge @!p0 [sflag:s0], s1  }
0x4e: {  	s1 =	ssub.s32 @!p0 $0x0, s1;
	[sflag:s0] =	ssyncset.done @!p0 $0x0  }
0x4f: {  	[sflag:s0] =	ssyncadd.s32 @!p0 s1  }
0x50: {  	[bflag:$0x3] =	sbarrier.arrive $0xFFFF  }
0x51: {  	_ =	shalt  }

// kernel: kernel.16.cloned.1.call-start
scs
__scs_entry_jumppad:
0x0: {  	(pc) =	sbr.rel $0x88, $3  }
0x1: {  	(tag) =	ssettag $0x0;
	lr =	simm.s32 $0x1  }
0x2: {  	[smem:$0x3F99] =	sst lr;
	_ =	strace $0xD0000000  }
0x3: {  	_ = 	snop  }
0x4: {  	_ = 	snop  }
0x5: {  	_ = 	snop  }
0x6: {  	_ = 	snop  }
0x7: {  	_ = 	snop  }
__scs_overlays_trampoline_lowered:
0x8: {  	[smem:$0x3FA8] =	sst s0  }
0x9: {  	[smem:$0x3FA9] =	sst s1  }
0xa: {  	[smem:$0x3FAA] =	sst s2  }
0xb: {  	[smem:$0x3FAB] =	sst s3  }
0xc: {  	[smem:$0x3FAC] =	sst s4  }
0xd: {  	[smem:$0x3FAD] =	sst s5  }
0xe: {  	[smem:$0x3FAE] =	sst s6  }
0xf: {  	[smem:$0x3FAF] =	sst s7  }
0x10: {  	[smem:$0x3FB0] =	sst s8  }
0x11: {  	[smem:$0x3FB1] =	sst s9;
	s0 =	simm.s32 @!p0 $0x0  }
0x12: {  	s1 =	sld [smem:$0x3F97];
	s0 =	simm.s32 @p0 $0x1  }
0x13: {  	[smem:$0x3FB2] =	sst s0;
	s0 =	simm.s32 @!p1 $0x0  }
0x14: {  	s2 =	sld [smem:$0x3F96];
	s0 =	simm.s32 @p1 $0x1  }
0x15: {  	[smem:$0x3FB3] =	sst s0;
	s0 =	simm.s32 @!p2 $0x0  }
0x16: {  	s3 =	sld [smem:$0x3FDB];
	s0 =	simm.s32 @p2 $0x1  }
0x17: {  	s4 =	simm.s32 $0x1BF5;
	[smem:$0x3FB5] =	sst s0  }
0x18: {  	s0 =	sld [smem:$0x3F98];
	_ =	swait.ge [sflag:s4], $0x0  }
0x19: {  	s7 =	sld [smem:$0x3F99]  }
0x1a: {  	s8 =	sadd.s32 $0xFFFFE003, lr  }
0x1b: {  	s9 =	sadd.s32 $0xFFFFFEF7, lr;
	s5 =	simm.s32 $0xFFFFFFFF;
	p2 =	slt.u32 s8, $0xFFFFF086  }
0x1c: {  	p1 =	slt.u32 s9, $0xF7A;
	s5 =	simm.s32 @!p2 $0x0  }
0x1d: {  	s5 =	simm.s32 @p1 $0x1;
	p0 =	seq.s32 s7, s2  }
0x1e: {  	s7 =	smul.u32 @!p0 $0xF7A, s2;
	p2 =	seq.s32 @!p0 s5, $0x0  }
0x1f: {  	s9 =	smul.u32 $0xF7A, s1;
	s8 =	simm.s32 @!p0 $0x1BF5;
	p2 =	por !p2, p0  }
0x20: {  	[sflag:s8] =	ssyncset.s32 @!p0 $0xFFFFF086;
	s6 =	sadd.s32 @!p0 s3, s7;
	s7 =	simm.s32 @!p0 $0x108  }
0x21: {  	s3 =	sadd.s32 s3, s9;
	s6 =	sadd.s32 @!p0 $0x88, s6;
	s7 =	simm.s32 @p2 $0x1082  }
0x22: {  	[simem:s7], [sflag:s8] =	dma.local @!p0 [hbm:s6], $0xF7A  }
0x23: {  	s9 =	sor.u32 $0xD0000000, s2;
	s6 =	simm.s32 $0x108;
	_ =	swait.ge @!p0 [sflag:s8], $0x0  }
0x24: {  	s3 =	sadd.s32 $0x88, s3;
	s6 =	simm.s32 @!p1 $0x1082;
	[sflag:s4] =	ssyncset.s32 $0xFFFFF086  }
0x25: {  	[simem:s6], [sflag:s4] =	dma.local [hbm:s3], $0xF7A  }
0x26: {  	[smem:$0x3F99] =	sst s1;
	(tag) =	ssettag s2;
	_ =	strace s9  }
0x27: {  	s1 =	sld [smem:$0x3FA9]  }
0x28: {  	s2 =	sld [smem:$0x3FAA]  }
0x29: {  	s4 =	sld [smem:$0x3FAC]  }
0x2a: {  	p0 =	seq.s32 s5, $0x0;
	s5 =	sld [smem:$0x3FAD]  }
0x2b: {  	s6 =	sld [smem:$0x3FAE]  }
0x2c: {  	s7 =	sld [smem:$0x3FAF]  }
0x2d: {  	s3 =	simm.s32 $0x108;
	s8 =	sld [smem:$0x3FB0]  }
0x2e: {  	s3 =	simm.s32 @!p0 $0x1082;
	s9 =	sld [smem:$0x3FB1]  }
0x2f: {  	lr =	sadd.s32 s0, s3;
	s0 =	sld [smem:$0x3FA8]  }
0x30: {  	s3 =	sld [smem:$0x3FAB]  }
0x31: {  	[smem:$0x3FB4] =	sst s10  }
0x32: {  	s10 =	sld [smem:$0x3FB2];
	_ =	sdelay $0x3  }
0x33: {  	p0 =	seq.s32 s10, $0x1;
	s10 =	sld [smem:$0x3FB4];
	_ =	sdelay $0x3  }
0x34: {  	[smem:$0x3FB4] =	sst s10  }
0x35: {  	s10 =	sld [smem:$0x3FB3];
	_ =	sdelay $0x3  }
0x36: {  	p1 =	seq.s32 s10, $0x1;
	s10 =	sld [smem:$0x3FB4];
	_ =	sdelay $0x3  }
0x37: {  	[smem:$0x3FB4] =	sst s10  }
0x38: {  	s10 =	sld [smem:$0x3FB5]  }
0x39: {  	_ = 	snop;
	(pc) =	sbr.ind lr, $3  }
0x3a: {  	_ = 	snop  }
0x3b: {  	_ = 	snop  }
0x3c: {  	p2 =	seq.s32 s10, $0x1;
	s10 =	sld [smem:$0x3FB4]  }
0x3d: {  	_ =	shalt  }
0x3e: {  	_ =	shalt  }
0x3f: {  	_ =	shalt  }
0x40: {  	_ =	shalt  }
0x41: {  	_ =	shalt  }
0x42: {  	_ =	shalt  }
0x43: {  	_ =	shalt  }
0x44: {  	_ =	shalt  }
0x45: {  	_ =	shalt  }
0x46: {  	_ =	shalt  }
0x47: {  	_ =	shalt  }
0x48: {  	_ =	shalt  }
0x49: {  	_ =	shalt  }
0x4a: {  	_ =	shalt  }
0x4b: {  	_ =	shalt  }
0x4c: {  	_ =	shalt  }
0x4d: {  	_ =	shalt  }
0x4e: {  	_ =	shalt  }
0x4f: {  	_ =	shalt  }
0x50: {  	_ =	shalt  }
0x51: {  	_ =	shalt  }
0x52: {  	_ =	shalt  }
0x53: {  	_ =	shalt  }
0x54: {  	_ =	shalt  }
0x55: {  	_ =	shalt  }
0x56: {  	_ =	shalt  }
0x57: {  	_ =	shalt  }
0x58: {  	_ =	shalt  }
0x59: {  	_ =	shalt  }
0x5a: {  	_ =	shalt  }
0x5b: {  	_ =	shalt  }
0x5c: {  	_ =	shalt  }
0x5d: {  	_ =	shalt  }
0x5e: {  	_ =	shalt  }
0x5f: {  	_ =	shalt  }
0x60: {  	_ =	shalt  }
0x61: {  	_ =	shalt  }
0x62: {  	_ =	shalt  }
0x63: {  	_ =	shalt  }
0x64: {  	_ =	shalt  }
0x65: {  	_ =	shalt  }
0x66: {  	_ =	shalt  }
0x67: {  	_ =	shalt  }
0x68: {  	_ =	shalt  }
0x69: {  	_ =	shalt  }
0x6a: {  	_ =	shalt  }
0x6b: {  	_ =	shalt  }
0x6c: {  	_ =	shalt  }
0x6d: {  	_ =	shalt  }
0x6e: {  	_ =	shalt  }
0x6f: {  	_ =	shalt  }
0x70: {  	_ =	shalt  }
0x71: {  	_ =	shalt  }
0x72: {  	_ =	shalt  }
0x73: {  	_ =	shalt  }
0x74: {  	_ =	shalt  }
0x75: {  	_ =	shalt  }
0x76: {  	_ =	shalt  }
0x77: {  	_ =	shalt  }
0x78: {  	_ =	shalt  }
0x79: {  	_ =	shalt  }
0x7a: {  	_ =	shalt  }
0x7b: {  	_ =	shalt  }
0x7c: {  	_ =	shalt  }
0x7d: {  	_ =	shalt  }
0x7e: {  	_ =	shalt  }
0x7f: {  	_ =	shalt  }
0x80: {  	_ =	shalt  }
0x81: {  	_ =	shalt  }
0x82: {  	_ =	shalt  }
0x83: {  	_ =	shalt  }
0x84: {  	_ =	shalt  }
0x85: {  	_ =	shalt  }
0x86: {  	_ =	shalt  }
0x87: {  	_ =	shalt  }
.Lfunc_end0:
.L_simem_size_0:
called_computation.2_lowered:
.L_overlay_start_0:
0x88: {  	s2 =	sld [smem:$0x3FD9]  }
0x89: {  	s3 =	sld [smem:$0x3FFE];
	_ =	sdelay $0x1  }
0x8a: {  	s1 =	srdreg.scid  }
0x8b: {  	s0 =	sand.u32 $0x1, s1  }
0x8c: {  	s17 =	sshll.u32 s0, $0xA;
	s2 =	sadd.s32 s3, s2  }
0x8d: {  	s2 =	sadd.s32 s2, s17  }
0x8e: {  	[smem:$0x3FC0] =	sst s2  }
0x8f: {  	_ = 	snop  }
0x90: {  	s2 =	sld [smem:$0x3FD0];
	(tm) =	ssettm $0x1  }
0x91: {  	s18 =	sld [smem:$0x3FFB];
	_ =	sdelay $0x3  }
0x92: {  	_ =	strace s18  }
0x93: {  	s3 =	sld [smem:$0x3FFC];
	_ =	sdelay $0x3  }
0x94: {  	_ =	strace s3  }
0x95: {  	s3 =	sld [smem:$0x3FFD];
	_ =	sdelay $0x3  }
0x96: {  	_ =	strace s3  }
0x97: {  	_ =	strace $0x8FFFFFFF  }
0x98: {  	s19 =	sld [smem:$0x3FDB];
	_ =	sdelay $0x1  }
0x99: {  	s4 =	simm.s32 $_scs_section_size  }
0x9a: {  	s5 =	simm.s32 $_size__tile_overlayer_lowered;
	s6 =	simm.s32 $_tile_overlayer_lowered  }
0x9b: {  	s22 =	simm.s32 $0x1BFF;
	s21 =	sshll.u32 s6, $0x1;
	s3 =	sadd.s32 s4, s19  }
0x9c: {  	s7 =	simm.s32 $0x0;
	s20 =	sshll.u32 s5, $0x1;
	s5 =	sadd.s32 s21, s3  }
0x9d: {  	[timem:s7], [sflag:s22] =	dma.local [hbm:s5], s20  }
0x9e: {  	_ =	swait.ge [sflag:s22], s20  }
0x9f: {  	s4 =	ssub.s32 $0x0, s20;
	[sflag:s22] =	ssyncset.done $0x0  }
0xa0: {  	[sflag:s22] =	ssyncadd.s32 s4;
	_ =	sdelay $0x1  }
0xa1: {  	s23 =	simm.s32 $0x1B8B  }
0xa2: {  	_ =	swait.ge [sflag:s23], $0x1  }
0xa3: {  	[sflag:s23] =	ssyncset.done $0x0  }
0xa4: {  	s25 =	simm.s32 $0x1B8E;
	s24 =	sld [smem:$0x3FFE];
	[sflag:s23] =	ssyncadd.s32 $0xFFFFFFFF  }
0xa5: {  	s26 =	simm.s32 $execute0_lowered;
	[smem:$0x3FD2] =	sst s25  }
0xa6: {  	s5 =	sshll.u32 s26, $0x1;
	_ =	strace $0x8000004C;
	[dreg:$0x1] =	wrdreg $0xFFFFFFFF  }
0xa7: {  	s28 =	simm.s32 $_size_execute0_lowered;
	s3 =	sadd.s32 s3, s5;
	[dreg:$0x0] =	wrdreg $0x0  }
0xa8: {  	s5 =	sshll.u32 s28, $0x1;
	[dreg:$0x2] =	wrdreg s3  }
0xa9: {  	[dreg:$0x3] =	wrdreg s5  }
0xaa: {  	[dreg:$0x4] =	wrdreg $0xC0  }
0xab: {  	_ =	task [dreg:s7], $0x5FFFF  }
0xac: {  	[dreg:$0x1] =	wrdreg $0xFFFFFFFF  }
0xad: {  	[dreg:$0x0] =	wrdreg $0x60  }
0xae: {  	[dreg:$0x2] =	wrdreg s2  }
0xaf: {  	[dreg:$0x3] =	wrdreg s24  }
0xb0: {  	[dreg:$0x4] =	wrdreg $0x90000  }
0xb1: {  	[dreg:$0x5] =	wrdreg $0x9  }
0xb2: {  	_ =	task.clear_ibuf [dreg:s7], $0x6FFFF;
	_ =	strace $0x9000004C  }
0xb3: {  	s29 =	simm.s32 $0x9;
	_ =	strace $0x8000004E  }
0xb4: {  	_ =	swait.ge [sflag:s29], $0x1  }
0xb5: {  	[sflag:s29] =	ssyncadd.s32 $0xFFFFFFFF  }
0xb6: {  	_ =	strace $0x9000004E  }
0xb7: {  	_ =	sfence  }
0xb8: {  	s30 =	sld [smem:$0x0];
	_ =	sdelay $0x2  }
0xb9: {  	s31 =	sshll.u32 s1, $0xD;
	s1 =	sshrl.u32 s1, $0x2  }
0xba: {  	s3 =	sand.u32 $0x4000, s31;
	s1 =	sadd.s32 s1, s30  }
0xbb: {  	s0 =	sor.u32 s3, s0;
	s1 =	sshll.u32 s1, $0x11  }
0xbc: {  	s0 =	sor.u32 s1, s0  }
0xbd: {  	s0 =	sadd.s32 $0x8F2B, s0  }
0xbe: {  	[sflag:s0] =	ssyncadd.remote.s32 $0x1  }
0xbf: {  	_ =	sfence.sel $0xFFFF  }
0xc0: {  	[dreg:$0x0] =	wrdreg $0xFFFFFFFF;
	(pc) =	sbr.abs _section_cstart, $3  }
0xc1: {  	[dreg:$0x1] =	wrdreg $0xFFFFFFFF  }
0xc2: {  	_ =	task.clear_ibuf [dreg:s7], $0x2FFFF;
	_ =	strace $0x9FFFFFFF  }
0xc3: {  	(tm) =	ssettm $0x7FFFFFFF  }
tec
execute0_lowered:
.L_overlay_start_1:
0x0: {  	(tag) =	ssettag $0x1  }
0x1: {  	s1 =	rddreg [dreg:$0x0]  }
0x2: {  	s6 =	rddreg [dreg:$0x1]  }
0x3: {  	s2 =	srdreg.scid;
	s0 =	stileid.u32  }
0x4: {  	s3 =	rddreg [dreg:$0x2];
	s4 =	simm.s32 $0x0;
	s16 =	simm.s32 $0x5000  }
0x5: {  	s17 =	simm.s32 $0x1;
	s20 =	simm.s32 $0x0;
	s7 =	sand.u32 $0x1, s2  }
0x6: {  	s5 =	sshll.u32 s0, $0x1;
	s2 =	rddreg [dreg:$0x3];
	s10 =	smul.u32 $0x50000, s0  }
0x7: {  	[smem:$0x7FF] =	sst s4;
	s11 =	sadd.s32 $0x68E00, s6;
	s31 =	smul.u32 $0x13800, s0  }
0x8: {  	s30 =	sshll.u32 s0, $0x6;
	s14 =	smul.u32 $0x4E000, s0;
	s19 =	sadd.s32 $0x138000, s3  }
0x9: {  	p0 =	sne.s32 s0, $0xF;
	s5 =	sor.u32 s7, s5;
	_ =	strace $0x8000004D  }
0xa: {  	s9 =	ssub.s32 $0x2, s7;
	s29 =	smul.u32 $0x138800, s7;
	s19 =	sshrl.u32 @!p0 s19, $0x3  }
0xb: {  	s5 =	smul.u32 $0x500, s5;
	s26 =	sshrl.u32 s9, $0x1;
	s28 =	sshrl.u32 s10, $0x2  }
0xc: {  	s14 =	sshrl.u32 s14, $0x2;
	s12 =	ssub.s32 s9, s26;
	s13 =	sadd.s32 s28, s3  }
0xd: {  	s10 =	sadd.s32 s31, s29;
	s9 =	sshrl.u32 s29, $0x3;
	s18 =	sadd.s32 s14, s3  }
0xe: {  	s14 =	simm.s32 $0x2800;
	s8 =	sadd.s32 s5, s6;
	s5 =	sadd.s32 $0xE400, s6  }
0xf: {  	s6 =	sor.u32 $0x1C02, s30;
	s10 =	sshrl.u32 s10, $0x3;
	s15 =	sadd.s32 s11, s9  }
0x10: {  	s18 =	sshrl.u32 s18, $0x3;
	s7 =	sadd.s32 $0x5EE00, s8;
	s8 =	sadd.s32 $0x4400, s8  }
0x11: {  	s9 =	sadd.s32 s11, s10;
	s10 =	sadd.s32 $0x27000, s15;
	s11 =	smax.u32 s12, $0x1  }
0x12: {  	s12 =	sshrl.u32 s13, $0x3;
	s13 =	simm.s32 $0x2;
	s15 =	simm.s32 $0x80  }
.LBB2_1:
0x13: {  	[spmem:s12], [sflag:s6] =	dma.local [hbm:s5], $0x2800  }
0x14: {  	_ =	swait.ge [sflag:s13], $0x2800  }
0x15: {  	[sflag:s13] =	ssyncset.done $0x0  }
0x16: {  	[sflag:s13] =	ssyncadd.s32 $0xFFFFD800  }
0x17: {  	[tilespmem:s4], [sflag:$0x2] =	stream.linear.gather [hbm4b:s7+s4], $0x2780, $0x38;
	[tilespmem:$0x1D000] =	vst v63  }
0x18: {  	_ =	swait.ge [sflag:s13], $0x2780  }
0x19: {  	[sflag:s13] =	ssyncset.done $0x0  }
0x1a: {  	[sflag:s13] =	ssyncadd.s32 $0xFFFFD880  }
0x1b: {  	[tilespmem:s14], [sflag:$0x2] =	stream.linear.gather [hbm4b:s8+s4], $0x2780, $0x38;
	[tilespmem:$0x1D000] =	vst v63  }
0x1c: {  	_ =	swait.ge [sflag:s13], $0x2780  }
0x1d: {  	[sflag:s13] =	ssyncset.done $0x0  }
0x1e: {  	[sflag:s13] =	ssyncadd.s32 $0xFFFFD880  }
0x1f: {  	s21 =	simm.s32 $0x0;
	[bflag:$0x0] =	sbarrier.arrive $0xFFFF  }
0x20: {  	[tilespmem:s16], [sflag:$0x1] =	stream.indirect.gather [hbm4b:s1+s15], $0x80, s21, s15, $0xb8;
	[tilespmem:$0x1D000] =	vst v63  }
0x21: {  	_ =	swait.ge [sflag:s17], $0x4000  }
0x22: {  	[sflag:s17] =	ssyncset.done $0x0  }
0x23: {  	s31 =	simm.s32 $0x2800;
	[sflag:s17] =	ssyncadd.s32 $0xFFFFC000  }
0x24: {  	[spmem:s3] =	stream.indirect.scatter.add.f32 [tilespmem:s16], [sflag:$0x2], $0x80, s31, s15, $0xb8;
	[tilespmem:$0x1D000] =	vst v63  }
0x25: {  	_ =	swait.ge [sflag:s13], $0x4000  }
0x26: {  	s22 =	simm.s32 $0x400;
	s21 =	simm.s32 $0x200;
	[sflag:s13] =	ssyncset.done $0x0  }
.LBB2_2:
0x27: {  	s23 =	sshra.s32 s21, $0x2  }
0x28: {  	[sflag:s13] =	ssyncadd.s32 $0xFFFFC000;
	s21 =	smov.u32 s22;
	s24 =	sadd.s32 $0x200, s22  }
0x29: {  	[tilespmem:s16], [sflag:$0x1] =	stream.indirect.gather [hbm4b:s1+s15], $0x80, s23, s15, $0xb8;
	[tilespmem:$0x1D000] =	vst v63  }
0x2a: {  	p1 =	sne.s32 s22, $0x9C00;
	_ =	swait.ge [sflag:s17], $0x4000  }
.Ltmp0:
0x2b: {  	[sflag:s17] =	ssyncset.done $0x0;
	(pc) =	sbr.rel @p1 .LBB2_2-.Ltmp0, $4  }
0x2c: {  	s22 =	sadd.s32 $0x2800, s23;
	[sflag:s17] =	ssyncadd.s32 $0xFFFFC000  }
0x2d: {  	[spmem:s3] =	stream.indirect.scatter.add.f32 [tilespmem:s16], [sflag:$0x2], $0x80, s22, s15, $0xb8;
	[tilespmem:$0x1D000] =	vst v63  }
0x2e: {  	_ =	swait.ge [sflag:s13], $0x4000  }
0x2f: {  	s22 =	smov.u32 s24;
	[sflag:s13] =	ssyncset.done $0x0  }
0x30: {  	s21 =	sshra.s32 s21, $0x2;
	[sflag:s13] =	ssyncadd.s32 $0xFFFFC000  }
0x31: {  	[tilespmem:s16], [sflag:$0x1] =	stream.indirect.gather [hbm4b:s1+s15], $0x80, s21, s15, $0xb8;
	[tilespmem:$0x1D000] =	vst v63  }
0x32: {  	_ =	swait.ge [sflag:s17], $0x4000  }
0x33: {  	[sflag:s17] =	ssyncset.done $0x0  }
0x34: {  	s21 =	sadd.s32 $0x2800, s21;
	[sflag:s17] =	ssyncadd.s32 $0xFFFFC000  }
0x35: {  	[spmem:s3] =	stream.indirect.scatter.add.f32 [tilespmem:s16], [sflag:$0x2], $0x80, s21, s15, $0xb8;
	[tilespmem:$0x1D000] =	vst v63  }
0x36: {  	_ =	swait.ge [sflag:s13], $0x4000  }
0x37: {  	[sflag:s13] =	ssyncset.done $0x0  }
0x38: {  	[sflag:s13] =	ssyncadd.s32 $0xFFFFC000  }
0x39: {  	[bflag:$0x0] =	sbarrier.arrive $0xFFFF  }
0x3a: {  	[hbm:s9], [sflag:s6] =	dma.local [spmem:s18], $0x2700  }
0x3b: {  	s20 =	sadd.s32 $0x1, s20;
	_ =	swait.ge [sflag:s13], $0x2700  }
0x3c: {  	p1 =	sne.s32 s20, s11;
	[sflag:s13] =	ssyncset.done $0x0  }
.Ltmp1:
0x3d: {  	s21 =	simm.s32 @!p0 $0x2;
	[sflag:s13] =	ssyncadd.s32 $0xFFFFD900;
	(pc) =	sbr.rel @p1 .LBB2_1-.Ltmp1, $4  }
0x3e: {  	[hbm:s10], [sflag:s6] =	dma.local @!p0 [spmem:s19], $0x100  }
0x3f: {  	_ =	swait.ge @!p0 [sflag:s21], $0x100  }
0x40: {  	[sflag:s21] =	ssyncset.done @!p0 $0x0  }
0x41: {  	[sflag:s21] =	ssyncadd.s32 @!p0 $0xFFFFFF00  }
0x42: {  	_ =	sfence.sel $0x180000  }
0x43: {  	[bflag:$0x0] =	sbarrier.arrive $0xFFFF  }
0x44: {  	p0 =	sne.s32 s0, $0x0;
	_ =	strace $0x9000004D  }
0x45: {  	s0 =	sadd.s32 @!p0 $0x100000, s2;
	[bflag:$0x2] =	sbarrier.arrive $0xFFFF  }
0x46: {  	[sflag:s0] =	ssyncadd.tile.s32 @!p0 $0x1;
	_ =	shalt  }
.Lfunc_end2:
_tile_overlayer_lowered:
.L_overlay_start_2:
0x47: {  	(tag) =	ssettag $0x2  }
0x48: {  	s0 =	rddreg [dreg:$0x0];
	s2 =	stileid.u32  }
0x49: {  	s1 =	rddreg [dreg:$0x1];
	p0 =	sne.s32 s2, $0x0  }
0x4a: {  	s3 =	rddreg [dreg:$0x2];
	[bflag:$0x3] =	sbarrier.arrive $0xFFFF;
	s2 =	simm.s32 @!p0 $0x1C02  }
0x4b: {  	[timem:s3], [sflag:s2] =	dma.local @!p0 [hbm:s0], s1  }
0x4c: {  	s0 =	simm.s32 @!p0 $0x2  }
0x4d: {  	_ =	swait.ge @!p0 [sflag:s0], s1  }
0x4e: {  	s1 =	ssub.s32 @!p0 $0x0, s1;
	[sflag:s0] =	ssyncset.done @!p0 $0x0  }
0x4f: {  	[sflag:s0] =	ssyncadd.s32 @!p0 s1  }
0x50: {  	[bflag:$0x3] =	sbarrier.arrive $0xFFFF  }
0x51: {  	_ =	shalt  }

// kernel: kernel.19.cloned.1.call-start
scs
__scs_entry_jumppad:
0x0: {  	(pc) =	sbr.rel $0x88, $3  }
0x1: {  	(tag) =	ssettag $0x0;
	lr =	simm.s32 $0x1  }
0x2: {  	[smem:$0x3F99] =	sst lr;
	_ =	strace $0xD0000000  }
0x3: {  	_ = 	snop  }
0x4: {  	_ = 	snop  }
0x5: {  	_ = 	snop  }
0x6: {  	_ = 	snop  }
0x7: {  	_ = 	snop  }
__scs_overlays_trampoline_lowered:
0x8: {  	[smem:$0x3FA8] =	sst s0  }
0x9: {  	[smem:$0x3FA9] =	sst s1  }
0xa: {  	[smem:$0x3FAA] =	sst s2  }
0xb: {  	[smem:$0x3FAB] =	sst s3  }
0xc: {  	[smem:$0x3FAC] =	sst s4  }
0xd: {  	[smem:$0x3FAD] =	sst s5  }
0xe: {  	[smem:$0x3FAE] =	sst s6  }
0xf: {  	[smem:$0x3FAF] =	sst s7  }
0x10: {  	[smem:$0x3FB0] =	sst s8  }
0x11: {  	[smem:$0x3FB1] =	sst s9;
	s0 =	simm.s32 @!p0 $0x0  }
0x12: {  	s1 =	sld [smem:$0x3F97];
	s0 =	simm.s32 @p0 $0x1  }
0x13: {  	[smem:$0x3FB2] =	sst s0;
	s0 =	simm.s32 @!p1 $0x0  }
0x14: {  	s2 =	sld [smem:$0x3F96];
	s0 =	simm.s32 @p1 $0x1  }
0x15: {  	[smem:$0x3FB3] =	sst s0;
	s0 =	simm.s32 @!p2 $0x0  }
0x16: {  	s3 =	sld [smem:$0x3FDB];
	s0 =	simm.s32 @p2 $0x1  }
0x17: {  	s4 =	simm.s32 $0x1BF5;
	[smem:$0x3FB5] =	sst s0  }
0x18: {  	s0 =	sld [smem:$0x3F98];
	_ =	swait.ge [sflag:s4], $0x0  }
0x19: {  	s7 =	sld [smem:$0x3F99]  }
0x1a: {  	s8 =	sadd.s32 $0xFFFFE003, lr  }
0x1b: {  	s9 =	sadd.s32 $0xFFFFFEF7, lr;
	s5 =	simm.s32 $0xFFFFFFFF;
	p2 =	slt.u32 s8, $0xFFFFF086  }
0x1c: {  	p1 =	slt.u32 s9, $0xF7A;
	s5 =	simm.s32 @!p2 $0x0  }
0x1d: {  	s5 =	simm.s32 @p1 $0x1;
	p0 =	seq.s32 s7, s2  }
0x1e: {  	s7 =	smul.u32 @!p0 $0xF7A, s2;
	p2 =	seq.s32 @!p0 s5, $0x0  }
0x1f: {  	s9 =	smul.u32 $0xF7A, s1;
	s8 =	simm.s32 @!p0 $0x1BF5;
	p2 =	por !p2, p0  }
0x20: {  	[sflag:s8] =	ssyncset.s32 @!p0 $0xFFFFF086;
	s6 =	sadd.s32 @!p0 s3, s7;
	s7 =	simm.s32 @!p0 $0x108  }
0x21: {  	s3 =	sadd.s32 s3, s9;
	s6 =	sadd.s32 @!p0 $0x88, s6;
	s7 =	simm.s32 @p2 $0x1082  }
0x22: {  	[simem:s7], [sflag:s8] =	dma.local @!p0 [hbm:s6], $0xF7A  }
0x23: {  	s9 =	sor.u32 $0xD0000000, s2;
	s6 =	simm.s32 $0x108;
	_ =	swait.ge @!p0 [sflag:s8], $0x0  }
0x24: {  	s3 =	sadd.s32 $0x88, s3;
	s6 =	simm.s32 @!p1 $0x1082;
	[sflag:s4] =	ssyncset.s32 $0xFFFFF086  }
0x25: {  	[simem:s6], [sflag:s4] =	dma.local [hbm:s3], $0xF7A  }
0x26: {  	[smem:$0x3F99] =	sst s1;
	(tag) =	ssettag s2;
	_ =	strace s9  }
0x27: {  	s1 =	sld [smem:$0x3FA9]  }
0x28: {  	s2 =	sld [smem:$0x3FAA]  }
0x29: {  	s4 =	sld [smem:$0x3FAC]  }
0x2a: {  	p0 =	seq.s32 s5, $0x0;
	s5 =	sld [smem:$0x3FAD]  }
0x2b: {  	s6 =	sld [smem:$0x3FAE]  }
0x2c: {  	s7 =	sld [smem:$0x3FAF]  }
0x2d: {  	s3 =	simm.s32 $0x108;
	s8 =	sld [smem:$0x3FB0]  }
0x2e: {  	s3 =	simm.s32 @!p0 $0x1082;
	s9 =	sld [smem:$0x3FB1]  }
0x2f: {  	lr =	sadd.s32 s0, s3;
	s0 =	sld [smem:$0x3FA8]  }
0x30: {  	s3 =	sld [smem:$0x3FAB]  }
0x31: {  	[smem:$0x3FB4] =	sst s10  }
0x32: {  	s10 =	sld [smem:$0x3FB2];
	_ =	sdelay $0x3  }
0x33: {  	p0 =	seq.s32 s10, $0x1;
	s10 =	sld [smem:$0x3FB4];
	_ =	sdelay $0x3  }
0x34: {  	[smem:$0x3FB4] =	sst s10  }
0x35: {  	s10 =	sld [smem:$0x3FB3];
	_ =	sdelay $0x3  }
0x36: {  	p1 =	seq.s32 s10, $0x1;
	s10 =	sld [smem:$0x3FB4];
	_ =	sdelay $0x3  }
0x37: {  	[smem:$0x3FB4] =	sst s10  }
0x38: {  	s10 =	sld [smem:$0x3FB5]  }
0x39: {  	_ = 	snop;
	(pc) =	sbr.ind lr, $3  }
0x3a: {  	_ = 	snop  }
0x3b: {  	_ = 	snop  }
0x3c: {  	p2 =	seq.s32 s10, $0x1;
	s10 =	sld [smem:$0x3FB4]  }
0x3d: {  	_ =	shalt  }
0x3e: {  	_ =	shalt  }
0x3f: {  	_ =	shalt  }
0x40: {  	_ =	shalt  }
0x41: {  	_ =	shalt  }
0x42: {  	_ =	shalt  }
0x43: {  	_ =	shalt  }
0x44: {  	_ =	shalt  }
0x45: {  	_ =	shalt  }
0x46: {  	_ =	shalt  }
0x47: {  	_ =	shalt  }
0x48: {  	_ =	shalt  }
0x49: {  	_ =	shalt  }
0x4a: {  	_ =	shalt  }
0x4b: {  	_ =	shalt  }
0x4c: {  	_ =	shalt  }
0x4d: {  	_ =	shalt  }
0x4e: {  	_ =	shalt  }
0x4f: {  	_ =	shalt  }
0x50: {  	_ =	shalt  }
0x51: {  	_ =	shalt  }
0x52: {  	_ =	shalt  }
0x53: {  	_ =	shalt  }
0x54: {  	_ =	shalt  }
0x55: {  	_ =	shalt  }
0x56: {  	_ =	shalt  }
0x57: {  	_ =	shalt  }
0x58: {  	_ =	shalt  }
0x59: {  	_ =	shalt  }
0x5a: {  	_ =	shalt  }
0x5b: {  	_ =	shalt  }
0x5c: {  	_ =	shalt  }
0x5d: {  	_ =	shalt  }
0x5e: {  	_ =	shalt  }
0x5f: {  	_ =	shalt  }
0x60: {  	_ =	shalt  }
0x61: {  	_ =	shalt  }
0x62: {  	_ =	shalt  }
0x63: {  	_ =	shalt  }
0x64: {  	_ =	shalt  }
0x65: {  	_ =	shalt  }
0x66: {  	_ =	shalt  }
0x67: {  	_ =	shalt  }
0x68: {  	_ =	shalt  }
0x69: {  	_ =	shalt  }
0x6a: {  	_ =	shalt  }
0x6b: {  	_ =	shalt  }
0x6c: {  	_ =	shalt  }
0x6d: {  	_ =	shalt  }
0x6e: {  	_ =	shalt  }
0x6f: {  	_ =	shalt  }
0x70: {  	_ =	shalt  }
0x71: {  	_ =	shalt  }
0x72: {  	_ =	shalt  }
0x73: {  	_ =	shalt  }
0x74: {  	_ =	shalt  }
0x75: {  	_ =	shalt  }
0x76: {  	_ =	shalt  }
0x77: {  	_ =	shalt  }
0x78: {  	_ =	shalt  }
0x79: {  	_ =	shalt  }
0x7a: {  	_ =	shalt  }
0x7b: {  	_ =	shalt  }
0x7c: {  	_ =	shalt  }
0x7d: {  	_ =	shalt  }
0x7e: {  	_ =	shalt  }
0x7f: {  	_ =	shalt  }
0x80: {  	_ =	shalt  }
0x81: {  	_ =	shalt  }
0x82: {  	_ =	shalt  }
0x83: {  	_ =	shalt  }
0x84: {  	_ =	shalt  }
0x85: {  	_ =	shalt  }
0x86: {  	_ =	shalt  }
0x87: {  	_ =	shalt  }
.Lfunc_end0:
.L_simem_size_0:
called_computation.3_lowered:
.L_overlay_start_0:
0x88: {  	s2 =	sld [smem:$0x3FD9]  }
0x89: {  	s3 =	sld [smem:$0x3FFE];
	_ =	sdelay $0x1  }
0x8a: {  	s1 =	srdreg.scid  }
0x8b: {  	s0 =	sand.u32 $0x1, s1  }
0x8c: {  	s17 =	sshll.u32 s0, $0xA;
	s2 =	sadd.s32 s3, s2  }
0x8d: {  	s2 =	sadd.s32 s2, s17  }
0x8e: {  	[smem:$0x3FC0] =	sst s2  }
0x8f: {  	_ = 	snop  }
0x90: {  	s2 =	sld [smem:$0x3FD0];
	(tm) =	ssettm $0x1  }
0x91: {  	s18 =	sld [smem:$0x3FFB];
	_ =	sdelay $0x3  }
0x92: {  	_ =	strace s18  }
0x93: {  	s3 =	sld [smem:$0x3FFC];
	_ =	sdelay $0x3  }
0x94: {  	_ =	strace s3  }
0x95: {  	s3 =	sld [smem:$0x3FFD];
	_ =	sdelay $0x3  }
0x96: {  	_ =	strace s3  }
0x97: {  	_ =	strace $0x8FFFFFFF  }
0x98: {  	s19 =	sld [smem:$0x3FDB];
	_ =	sdelay $0x1  }
0x99: {  	s4 =	simm.s32 $_scs_section_size  }
0x9a: {  	s5 =	simm.s32 $_size__tile_overlayer_lowered;
	s6 =	simm.s32 $_tile_overlayer_lowered  }
0x9b: {  	s22 =	simm.s32 $0x1BFF;
	s21 =	sshll.u32 s6, $0x1;
	s3 =	sadd.s32 s4, s19  }
0x9c: {  	s7 =	simm.s32 $0x0;
	s20 =	sshll.u32 s5, $0x1;
	s5 =	sadd.s32 s21, s3  }
0x9d: {  	[timem:s7], [sflag:s22] =	dma.local [hbm:s5], s20  }
0x9e: {  	_ =	swait.ge [sflag:s22], s20  }
0x9f: {  	s4 =	ssub.s32 $0x0, s20;
	[sflag:s22] =	ssyncset.done $0x0  }
0xa0: {  	[sflag:s22] =	ssyncadd.s32 s4;
	_ =	sdelay $0x1  }
0xa1: {  	s23 =	simm.s32 $0x1B8B  }
0xa2: {  	_ =	swait.ge [sflag:s23], $0x1  }
0xa3: {  	[sflag:s23] =	ssyncset.done $0x0  }
0xa4: {  	s25 =	simm.s32 $0x1B8E;
	s24 =	sld [smem:$0x3FFE];
	[sflag:s23] =	ssyncadd.s32 $0xFFFFFFFF  }
0xa5: {  	s26 =	simm.s32 $execute0_lowered;
	[smem:$0x3FD2] =	sst s25  }
0xa6: {  	s5 =	sshll.u32 s26, $0x1;
	_ =	strace $0x8000004F;
	[dreg:$0x1] =	wrdreg $0xFFFFFFFF  }
0xa7: {  	s28 =	simm.s32 $_size_execute0_lowered;
	s3 =	sadd.s32 s3, s5;
	[dreg:$0x0] =	wrdreg $0x0  }
0xa8: {  	s5 =	sshll.u32 s28, $0x1;
	[dreg:$0x2] =	wrdreg s3  }
0xa9: {  	[dreg:$0x3] =	wrdreg s5  }
0xaa: {  	[dreg:$0x4] =	wrdreg $0xC0  }
0xab: {  	_ =	task [dreg:s7], $0x5FFFF  }
0xac: {  	[dreg:$0x1] =	wrdreg $0xFFFFFFFF  }
0xad: {  	[dreg:$0x0] =	wrdreg $0x60  }
0xae: {  	[dreg:$0x2] =	wrdreg s2  }
0xaf: {  	[dreg:$0x3] =	wrdreg s24  }
0xb0: {  	[dreg:$0x4] =	wrdreg $0x90000  }
0xb1: {  	[dreg:$0x5] =	wrdreg $0x9  }
0xb2: {  	_ =	task.clear_ibuf [dreg:s7], $0x6FFFF;
	_ =	strace $0x9000004F  }
0xb3: {  	s29 =	simm.s32 $0x9;
	_ =	strace $0x80000051  }
0xb4: {  	_ =	swait.ge [sflag:s29], $0x1  }
0xb5: {  	[sflag:s29] =	ssyncadd.s32 $0xFFFFFFFF  }
0xb6: {  	_ =	strace $0x90000051  }
0xb7: {  	_ =	sfence  }
0xb8: {  	s30 =	sld [smem:$0x0];
	_ =	sdelay $0x2  }
0xb9: {  	s31 =	sshll.u32 s1, $0xD;
	s1 =	sshrl.u32 s1, $0x2  }
0xba: {  	s3 =	sand.u32 $0x4000, s31;
	s1 =	sadd.s32 s1, s30  }
0xbb: {  	s0 =	sor.u32 s3, s0;
	s1 =	sshll.u32 s1, $0x11  }
0xbc: {  	s0 =	sor.u32 s1, s0  }
0xbd: {  	s0 =	sadd.s32 $0x8F2B, s0  }
0xbe: {  	[sflag:s0] =	ssyncadd.remote.s32 $0x1  }
0xbf: {  	_ =	sfence.sel $0xFFFF  }
0xc0: {  	[dreg:$0x0] =	wrdreg $0xFFFFFFFF;
	(pc) =	sbr.abs _section_cstart, $3  }
0xc1: {  	[dreg:$0x1] =	wrdreg $0xFFFFFFFF  }
0xc2: {  	_ =	task.clear_ibuf [dreg:s7], $0x2FFFF;
	_ =	strace $0x9FFFFFFF  }
0xc3: {  	(tm) =	ssettm $0x7FFFFFFF  }
tec
execute0_lowered:
.L_overlay_start_1:
0x0: {  	(tag) =	ssettag $0x1  }
0x1: {  	s1 =	rddreg [dreg:$0x0]  }
0x2: {  	s6 =	rddreg [dreg:$0x1]  }
0x3: {  	s2 =	srdreg.scid;
	s0 =	stileid.u32  }
0x4: {  	s3 =	rddreg [dreg:$0x2];
	s4 =	simm.s32 $0x0;
	s16 =	simm.s32 $0x5000  }
0x5: {  	s17 =	simm.s32 $0x1;
	s20 =	simm.s32 $0x0;
	s7 =	sand.u32 $0x1, s2  }
0x6: {  	s5 =	sshll.u32 s0, $0x1;
	s2 =	rddreg [dreg:$0x3];
	s10 =	smul.u32 $0x50000, s0  }
0x7: {  	[smem:$0x7FF] =	sst s4;
	s11 =	sadd.s32 $0x68E00, s6;
	s31 =	smul.u32 $0x13800, s0  }
0x8: {  	s30 =	sshll.u32 s0, $0x6;
	s14 =	smul.u32 $0x4E000, s0;
	s19 =	sadd.s32 $0x138000, s3  }
0x9: {  	p0 =	sne.s32 s0, $0xF;
	s5 =	sor.u32 s7, s5;
	_ =	strace $0x80000050  }
0xa: {  	s9 =	ssub.s32 $0x2, s7;
	s29 =	smul.u32 $0x138800, s7;
	s19 =	sshrl.u32 @!p0 s19, $0x3  }
0xb: {  	s5 =	smul.u32 $0x500, s5;
	s26 =	sshrl.u32 s9, $0x1;
	s28 =	sshrl.u32 s10, $0x2  }
0xc: {  	s14 =	sshrl.u32 s14, $0x2;
	s12 =	ssub.s32 s9, s26;
	s13 =	sadd.s32 s28, s3  }
0xd: {  	s10 =	sadd.s32 s31, s29;
	s9 =	sshrl.u32 s29, $0x3;
	s18 =	sadd.s32 s14, s3  }
0xe: {  	s14 =	simm.s32 $0x2800;
	s8 =	sadd.s32 s5, s6;
	s5 =	sadd.s32 $0xE400, s6  }
0xf: {  	s6 =	sor.u32 $0x1C02, s30;
	s10 =	sshrl.u32 s10, $0x3;
	s15 =	sadd.s32 s11, s9  }
0x10: {  	s18 =	sshrl.u32 s18, $0x3;
	s7 =	sadd.s32 $0x5EE00, s8;
	s8 =	sadd.s32 $0x4400, s8  }
0x11: {  	s9 =	sadd.s32 s11, s10;
	s10 =	sadd.s32 $0x27000, s15;
	s11 =	smax.u32 s12, $0x1  }
0x12: {  	s12 =	sshrl.u32 s13, $0x3;
	s13 =	simm.s32 $0x2;
	s15 =	simm.s32 $0x80  }
.LBB2_1:
0x13: {  	[spmem:s12], [sflag:s6] =	dma.local [hbm:s5], $0x2800  }
0x14: {  	_ =	swait.ge [sflag:s13], $0x2800  }
0x15: {  	[sflag:s13] =	ssyncset.done $0x0  }
0x16: {  	[sflag:s13] =	ssyncadd.s32 $0xFFFFD800  }
0x17: {  	[tilespmem:s4], [sflag:$0x2] =	stream.linear.gather [hbm4b:s7+s4], $0x2780, $0x38;
	[tilespmem:$0x1D000] =	vst v63  }
0x18: {  	_ =	swait.ge [sflag:s13], $0x2780  }
0x19: {  	[sflag:s13] =	ssyncset.done $0x0  }
0x1a: {  	[sflag:s13] =	ssyncadd.s32 $0xFFFFD880  }
0x1b: {  	[tilespmem:s14], [sflag:$0x2] =	stream.linear.gather [hbm4b:s8+s4], $0x2780, $0x38;
	[tilespmem:$0x1D000] =	vst v63  }
0x1c: {  	_ =	swait.ge [sflag:s13], $0x2780  }
0x1d: {  	[sflag:s13] =	ssyncset.done $0x0  }
0x1e: {  	[sflag:s13] =	ssyncadd.s32 $0xFFFFD880  }
0x1f: {  	s21 =	simm.s32 $0x0;
	[bflag:$0x0] =	sbarrier.arrive $0xFFFF  }
0x20: {  	[tilespmem:s16], [sflag:$0x1] =	stream.indirect.gather [hbm4b:s1+s15], $0x80, s21, s15, $0xb8;
	[tilespmem:$0x1D000] =	vst v63  }
0x21: {  	_ =	swait.ge [sflag:s17], $0x4000  }
0x22: {  	[sflag:s17] =	ssyncset.done $0x0  }
0x23: {  	s31 =	simm.s32 $0x2800;
	[sflag:s17] =	ssyncadd.s32 $0xFFFFC000  }
0x24: {  	[spmem:s3] =	stream.indirect.scatter.add.f32 [tilespmem:s16], [sflag:$0x2], $0x80, s31, s15, $0xb8;
	[tilespmem:$0x1D000] =	vst v63  }
0x25: {  	_ =	swait.ge [sflag:s13], $0x4000  }
0x26: {  	s22 =	simm.s32 $0x400;
	s21 =	simm.s32 $0x200;
	[sflag:s13] =	ssyncset.done $0x0  }
.LBB2_2:
0x27: {  	s23 =	sshra.s32 s21, $0x2  }
0x28: {  	[sflag:s13] =	ssyncadd.s32 $0xFFFFC000;
	s21 =	smov.u32 s22;
	s24 =	sadd.s32 $0x200, s22  }
0x29: {  	[tilespmem:s16], [sflag:$0x1] =	stream.indirect.gather [hbm4b:s1+s15], $0x80, s23, s15, $0xb8;
	[tilespmem:$0x1D000] =	vst v63  }
0x2a: {  	p1 =	sne.s32 s22, $0x9C00;
	_ =	swait.ge [sflag:s17], $0x4000  }
.Ltmp0:
0x2b: {  	[sflag:s17] =	ssyncset.done $0x0;
	(pc) =	sbr.rel @p1 .LBB2_2-.Ltmp0, $4  }
0x2c: {  	s22 =	sadd.s32 $0x2800, s23;
	[sflag:s17] =	ssyncadd.s32 $0xFFFFC000  }
0x2d: {  	[spmem:s3] =	stream.indirect.scatter.add.f32 [tilespmem:s16], [sflag:$0x2], $0x80, s22, s15, $0xb8;
	[tilespmem:$0x1D000] =	vst v63  }
0x2e: {  	_ =	swait.ge [sflag:s13], $0x4000  }
0x2f: {  	s22 =	smov.u32 s24;
	[sflag:s13] =	ssyncset.done $0x0  }
0x30: {  	s21 =	sshra.s32 s21, $0x2;
	[sflag:s13] =	ssyncadd.s32 $0xFFFFC000  }
0x31: {  	[tilespmem:s16], [sflag:$0x1] =	stream.indirect.gather [hbm4b:s1+s15], $0x80, s21, s15, $0xb8;
	[tilespmem:$0x1D000] =	vst v63  }
0x32: {  	_ =	swait.ge [sflag:s17], $0x4000  }
0x33: {  	[sflag:s17] =	ssyncset.done $0x0  }
0x34: {  	s21 =	sadd.s32 $0x2800, s21;
	[sflag:s17] =	ssyncadd.s32 $0xFFFFC000  }
0x35: {  	[spmem:s3] =	stream.indirect.scatter.add.f32 [tilespmem:s16], [sflag:$0x2], $0x80, s21, s15, $0xb8;
	[tilespmem:$0x1D000] =	vst v63  }
0x36: {  	_ =	swait.ge [sflag:s13], $0x4000  }
0x37: {  	[sflag:s13] =	ssyncset.done $0x0  }
0x38: {  	[sflag:s13] =	ssyncadd.s32 $0xFFFFC000  }
0x39: {  	[bflag:$0x0] =	sbarrier.arrive $0xFFFF  }
0x3a: {  	[hbm:s9], [sflag:s6] =	dma.local [spmem:s18], $0x2700  }
0x3b: {  	s20 =	sadd.s32 $0x1, s20;
	_ =	swait.ge [sflag:s13], $0x2700  }
0x3c: {  	p1 =	sne.s32 s20, s11;
	[sflag:s13] =	ssyncset.done $0x0  }
.Ltmp1:
0x3d: {  	s21 =	simm.s32 @!p0 $0x2;
	[sflag:s13] =	ssyncadd.s32 $0xFFFFD900;
	(pc) =	sbr.rel @p1 .LBB2_1-.Ltmp1, $4  }
0x3e: {  	[hbm:s10], [sflag:s6] =	dma.local @!p0 [spmem:s19], $0x100  }
0x3f: {  	_ =	swait.ge @!p0 [sflag:s21], $0x100  }
0x40: {  	[sflag:s21] =	ssyncset.done @!p0 $0x0  }
0x41: {  	[sflag:s21] =	ssyncadd.s32 @!p0 $0xFFFFFF00  }
0x42: {  	_ =	sfence.sel $0x180000  }
0x43: {  	[bflag:$0x0] =	sbarrier.arrive $0xFFFF  }
0x44: {  	p0 =	sne.s32 s0, $0x0;
	_ =	strace $0x90000050  }
0x45: {  	s0 =	sadd.s32 @!p0 $0x100000, s2;
	[bflag:$0x2] =	sbarrier.arrive $0xFFFF  }
0x46: {  	[sflag:s0] =	ssyncadd.tile.s32 @!p0 $0x1;
	_ =	shalt  }
.Lfunc_end2:
_tile_overlayer_lowered:
.L_overlay_start_2:
0x47: {  	(tag) =	ssettag $0x2  }
0x48: {  	s0 =	rddreg [dreg:$0x0];
	s2 =	stileid.u32  }
0x49: {  	s1 =	rddreg [dreg:$0x1];
	p0 =	sne.s32 s2, $0x0  }
0x4a: {  	s3 =	rddreg [dreg:$0x2];
	[bflag:$0x3] =	sbarrier.arrive $0xFFFF;
	s2 =	simm.s32 @!p0 $0x1C02  }
0x4b: {  	[timem:s3], [sflag:s2] =	dma.local @!p0 [hbm:s0], s1  }
0x4c: {  	s0 =	simm.s32 @!p0 $0x2  }
0x4d: {  	_ =	swait.ge @!p0 [sflag:s0], s1  }
0x4e: {  	s1 =	ssub.s32 @!p0 $0x0, s1;
	[sflag:s0] =	ssyncset.done @!p0 $0x0  }
0x4f: {  	[sflag:s0] =	ssyncadd.s32 @!p0 s1  }
0x50: {  	[bflag:$0x3] =	sbarrier.arrive $0xFFFF  }
0x51: {  	_ =	shalt  }

</sc_bundles>
